<compile_context>
chip_gen: v7x
topology: tpu7x:2x2x1
jax: 0.10.2.dev20260603
libtpu: 0.0.44.dev20260713+nightly
codegen_flags: <defaults>
</compile_context>

<pallas_src>
import functools

import jax
import jax.numpy as jnp
from jax import lax
from jax.experimental import pallas as pl
from jax.experimental.pallas import tpu as pltpu
from jax.experimental.pallas import tpu_sc as plsc

N = 64 * 1024
C = 32
K = 512
BN = 4096
LANES = 128
KC = K // LANES

NUM_CORES = 2
NUM_SUBCORES = 16
NW = NUM_CORES * NUM_SUBCORES
B_PER_W = N // NW
IDX_CHUNK = 128
N_CHUNKS = B_PER_W // IDX_CHUNK


def _argmin_body(x_ref, c2_ref, b2_ref, idx_ref):
    xb = x_ref[...]
    c2 = c2_ref[...]
    xc2 = lax.dot_general(xb, c2, (((1,), (1,)), ((), ())),
                          preferred_element_type=jnp.float32)
    a2 = jnp.sum(xb * xb, axis=1, keepdims=True)
    b2 = b2_ref[...]

    m = None
    cid = None
    for cc in range(KC):
        lo, hi = cc * LANES, (cc + 1) * LANES
        s = (a2 + b2[:, lo:hi]) + xc2[:, lo:hi]
        if cc == 0:
            m = s
            cid = jnp.zeros(s.shape, jnp.float32)
        else:
            lt = s < m
            m = jnp.minimum(m, s)
            cid = jnp.where(lt, jnp.float32(cc * LANES), cid)
    mfin = jnp.maximum(jnp.min(m, axis=1, keepdims=True), 0.0)
    lio = lax.broadcasted_iota(jnp.int32, m.shape, 1).astype(jnp.float32)
    kf = cid + lio
    kidx = jnp.min(jnp.where(m <= mfin, kf, jnp.float32(K)), axis=1,
                   keepdims=True)
    idx_ref[...] = kidx.astype(jnp.int32).reshape(BN // LANES, LANES)


def _tc_argmin(xf, c2, b2, off_blocks, nblocks):
    return pl.pallas_call(
        _argmin_body,
        grid=(nblocks,),
        in_specs=[
            pl.BlockSpec((BN, C), lambda i: (i + off_blocks, 0)),
            pl.BlockSpec((K, C), lambda i: (0, 0)),
            pl.BlockSpec((1, K), lambda i: (0, 0)),
        ],
        out_specs=pl.BlockSpec((BN // LANES, LANES), lambda i: (i, 0)),
        out_shape=jax.ShapeDtypeStruct((nblocks * BN // LANES, LANES),
                                       jnp.int32),
        compiler_params=pltpu.CompilerParams(
            dimension_semantics=("arbitrary",),
        ),
    )(xf, c2, b2)


NB = 1024
BATCH_PER_W = B_PER_W // NB


def _sc_gather_body(npts, boff, table_hbm, idx_hbm, out_hbm, idx_v, rows_v,
                    gsem, ssem):
    wid = lax.axis_index("s") * NUM_CORES + lax.axis_index("c")
    ppw = npts // NW
    nchunks = ppw // IDX_CHUNK
    batches = ppw // NB if ppw >= NB else 0
    pltpu.sync_copy(idx_hbm.at[pl.ds(wid * nchunks, nchunks)], idx_v)
    gathers = []
    for j in range(nchunks):
        gathers.append(
            pltpu.async_copy(
                table_hbm.at[idx_v.at[j]],
                rows_v.at[pl.ds(j * IDX_CHUNK, IDX_CHUNK)],
                gsem,
            )
        )
    cpb = nchunks // batches
    scatters = []
    for b in range(batches):
        for j in range(b * cpb, (b + 1) * cpb):
            gathers[j].wait()
        scatters.append(
            pltpu.async_copy(
                rows_v.at[pl.ds(b * NB, NB)],
                out_hbm.at[boff + wid * batches + b],
                ssem,
            )
        )
    for cp in scatters:
        cp.wait()


@functools.cache
def _sc_gather(npts, boff):
    ppw = npts // NW
    return pl.kernel(
        functools.partial(_sc_gather_body, npts, boff),
        out_type=jax.ShapeDtypeStruct((N // NB, NB, C), jnp.float32),
        mesh=plsc.VectorSubcoreMesh(core_axis_name="c", subcore_axis_name="s"),
        scratch_types=[
            pltpu.VMEM((ppw // IDX_CHUNK, IDX_CHUNK), jnp.int32),
            pltpu.VMEM((ppw, C), jnp.float32),
            pltpu.SemaphoreType.DMA,
            pltpu.SemaphoreType.DMA,
        ],
        compiler_params=pltpu.CompilerParams(use_tc_tiling_on_sc=False),
    )


def kernel(x, centroids):
    xf = x.reshape(N, C)
    c2 = -2.0 * centroids
    b2 = jnp.sum(centroids * centroids, axis=1)[None, :]
    idx2d = _tc_argmin(xf, c2, b2, 0, N // BN)
    return _sc_gather(N, 0)(centroids, idx2d)

# --- scband reference (transcript-rebuilt; emitter-appended) ---
"""Pipeline reference for scband-kmeans-26938034880803 (READ-ONLY COPY).

The authoritative reference and input builder live on the scoring server;
editing this copy changes nothing except your own understanding.
"""

import jax, jax.numpy as jnp
import numpy as np


def setup_inputs(seed: int = 0) -> dict:
    key = jax.random.key(seed)
    k1, k2 = jax.random.split(key)
    x = jax.random.normal(k1, (64, 1024, 32), dtype=jnp.float32)
    # learned/fitted codebook (module attribute self.centroids), k=512, code_dim=32
    centroids = jax.random.normal(k2, (512, 32), dtype=jnp.float32)
    return {"x": x, "centroids": centroids}


def _cdist_p2(a, b):
    # faithful euclidean pairwise distance (torch.cdist p=2)
    a2 = jnp.sum(a * a, axis=1, keepdims=True)          # [N, 1]
    b2 = jnp.sum(b * b, axis=1)                          # [K]
    d2 = a2 + b2[None, :] - 2.0 * (a @ b.T)              # [N, K]
    return jnp.sqrt(jnp.maximum(d2, 0.0))


def reference(x, centroids):
    # KMeans.predict_and_transform: predict cluster index via argmin of cdist,
    # then transform = gather centroids by index (vector-quantize)
    original_shape = x.shape[:-1]
    channel = x.shape[-1]
    xf = x.reshape(-1, channel)                          # [N, C]
    distance = _cdist_p2(xf, centroids)                  # [N, K]
    i = jnp.argmin(distance, axis=1)                     # [N]
    quantized = jnp.take(centroids, i, axis=0)           # [N, C] gather
    return quantized.reshape(*original_shape, channel)

if __name__ == "__main__":
    import jax
    _d = setup_inputs()
    print(jax.jit(kernel)(*tuple(_d.values())))

</pallas_src>

<mosaic_0001>
#map = affine_map<(d0, d1) -> (0, 0)>
#map1 = affine_map<(d0, d1) -> (0, 0, 0)>
module attributes {stable_mosaic.version = 14 : i64} {
  func.func @_sc_gather_body(%arg0: i32, %arg1: i32, %arg2: memref<512x32xf32, #tpu.memory_space<hbm>>, %arg3: memref<512x128xi32, #tpu.memory_space<hbm>>, %arg4: memref<64x1024x32xf32, #tpu.memory_space<hbm>>, %arg5: memref<16x128xi32, #tpu.memory_space<vmem>>, %arg6: memref<2048x32xf32, #tpu.memory_space<vmem>>, %arg7: memref<!tpu.dma_semaphore, #tpu.memory_space<semaphore_mem>>, %arg8: memref<!tpu.dma_semaphore, #tpu.memory_space<semaphore_mem>>) attributes {dimension_semantics = [#tpu.dimension_semantics<core_parallel>, #tpu.dimension_semantics<subcore_parallel>], iteration_bounds = array<i64: 2, 16>, scalar_prefetch = 0 : i64, scratch_operands = 4 : i64, tpu.core_type = #tpu.core_type<sc_vector_subcore>, window_params = [{transform_indices = #map}, {transform_indices = #map}, {transform_indices = #map1}]} {
    %mul3A = arith.constant 2 : i32
    %mul3A_0 = arith.muli %arg1, %mul3A : i32
    %add3A = arith.addi %mul3A_0, %arg0 : i32
    %mul3A_1 = arith.constant 16 : i32
    %mul3A_2 = arith.muli %add3A, %mul3A_1 : i32
    "tpu.region"() ({
      %run_scoped3A = tpu.sem_alloc : memref<!tpu.dma_semaphore, #tpu.memory_space<semaphore_mem>>
      %dma_start3A_389 = arith.constant 0 : i32
      %dma_start3A_390 = tpu.memref_slice %arg3[%mul3A_2, %dma_start3A_389] : memref<512x128xi32, #tpu.memory_space<hbm>> -> memref<16x128xi32, #tpu.memory_space<hbm>>
      %dma_start3A_391 = arith.constant 0 : i32
      %dma_start3A_392 = tpu.memref_slice %arg3[%mul3A_2, %dma_start3A_391] : memref<512x128xi32, #tpu.memory_space<hbm>> -> memref<16x128xi32, #tpu.memory_space<hbm>>
      tpu.enqueue_dma source(%dma_start3A_392 : memref<16x128xi32, #tpu.memory_space<hbm>>) target(%arg5 : memref<16x128xi32, #tpu.memory_space<vmem>>) target_semaphore(%run_scoped3A : memref<!tpu.dma_semaphore, #tpu.memory_space<semaphore_mem>>)
      %dma_wait3A_393 = arith.constant 0 : i32
      %dma_wait3A_394 = tpu.memref_slice %arg3[%mul3A_2, %dma_wait3A_393] : memref<512x128xi32, #tpu.memory_space<hbm>> -> memref<16x128xi32, #tpu.memory_space<hbm>>
      %dma_wait3A_395 = arith.constant 0 : i32
      %dma_wait3A_396 = tpu.memref_slice %arg3[%mul3A_2, %dma_wait3A_395] : memref<512x128xi32, #tpu.memory_space<hbm>> -> memref<16x128xi32, #tpu.memory_space<hbm>>
      tpu.wait_dma2 semaphore(%run_scoped3A : memref<!tpu.dma_semaphore, #tpu.memory_space<semaphore_mem>>) src(%dma_wait3A_396 : memref<16x128xi32, #tpu.memory_space<hbm>>) dst(%arg5 : memref<16x128xi32, #tpu.memory_space<vmem>>)
      tpu.yield
    }) : () -> ()
    %dma_start3A = arith.constant 0 : i32
    %dma_start3A_3 = arith.constant 0 : i32
    %dma_start3A_4 = arith.constant 0 : i32
    %dma_start3A_5 = tpu.memref_slice %arg6[%dma_start3A_3, %dma_start3A_4] : memref<2048x32xf32, #tpu.memory_space<vmem>> -> memref<128x32xf32, #tpu.memory_space<vmem>>
    %dma_start3A_6 = arith.constant 0 : i32
    %dma_start3A_7 = tpu.memref_slice %arg5[%dma_start3A, %dma_start3A_6] : memref<16x128xi32, #tpu.memory_space<vmem>> -> memref<1x128xi32, #tpu.memory_space<vmem>>
    %dma_start3A_8 = tpu.memref_squeeze %dma_start3A_7 : memref<1x128xi32, #tpu.memory_space<vmem>> -> memref<128xi32, #tpu.memory_space<vmem>>
    %dma_start3A_9 = arith.constant 0 : i32
    %dma_start3A_10 = arith.constant 0 : i32
    %dma_start3A_11 = tpu.memref_slice %arg2[%dma_start3A_9, %dma_start3A_10] : memref<512x32xf32, #tpu.memory_space<hbm>> -> memref<512x32xf32, #tpu.memory_space<hbm>>
    tpu.enqueue_indirect_dma source(%dma_start3A_11 : memref<512x32xf32, #tpu.memory_space<hbm>>) target(%dma_start3A_5 : memref<128x32xf32, #tpu.memory_space<vmem>>) offsets(%dma_start3A_8 : memref<128xi32, #tpu.memory_space<vmem>>) semaphore(%arg7 : memref<!tpu.dma_semaphore, #tpu.memory_space<semaphore_mem>>)
    %dma_start3A_12 = arith.constant 1 : i32
    %dma_start3A_13 = arith.constant 128 : i32
    %dma_start3A_14 = arith.constant 0 : i32
    %dma_start3A_15 = tpu.memref_slice %arg6[%dma_start3A_13, %dma_start3A_14] : memref<2048x32xf32, #tpu.memory_space<vmem>> -> memref<128x32xf32, #tpu.memory_space<vmem>>
    %dma_start3A_16 = arith.constant 0 : i32
    %dma_start3A_17 = tpu.memref_slice %arg5[%dma_start3A_12, %dma_start3A_16] : memref<16x128xi32, #tpu.memory_space<vmem>> -> memref<1x128xi32, #tpu.memory_space<vmem>>
    %dma_start3A_18 = tpu.memref_squeeze %dma_start3A_17 : memref<1x128xi32, #tpu.memory_space<vmem>> -> memref<128xi32, #tpu.memory_space<vmem>>
    %dma_start3A_19 = arith.constant 0 : i32
    %dma_start3A_20 = arith.constant 0 : i32
    %dma_start3A_21 = tpu.memref_slice %arg2[%dma_start3A_19, %dma_start3A_20] : memref<512x32xf32, #tpu.memory_space<hbm>> -> memref<512x32xf32, #tpu.memory_space<hbm>>
    tpu.enqueue_indirect_dma source(%dma_start3A_21 : memref<512x32xf32, #tpu.memory_space<hbm>>) target(%dma_start3A_15 : memref<128x32xf32, #tpu.memory_space<vmem>>) offsets(%dma_start3A_18 : memref<128xi32, #tpu.memory_space<vmem>>) semaphore(%arg7 : memref<!tpu.dma_semaphore, #tpu.memory_space<semaphore_mem>>)
    %dma_start3A_22 = arith.constant 2 : i32
    %dma_start3A_23 = arith.constant 256 : i32
    %dma_start3A_24 = arith.constant 0 : i32
    %dma_start3A_25 = tpu.memref_slice %arg6[%dma_start3A_23, %dma_start3A_24] : memref<2048x32xf32, #tpu.memory_space<vmem>> -> memref<128x32xf32, #tpu.memory_space<vmem>>
    %dma_start3A_26 = arith.constant 0 : i32
    %dma_start3A_27 = tpu.memref_slice %arg5[%dma_start3A_22, %dma_start3A_26] : memref<16x128xi32, #tpu.memory_space<vmem>> -> memref<1x128xi32, #tpu.memory_space<vmem>>
    %dma_start3A_28 = tpu.memref_squeeze %dma_start3A_27 : memref<1x128xi32, #tpu.memory_space<vmem>> -> memref<128xi32, #tpu.memory_space<vmem>>
    %dma_start3A_29 = arith.constant 0 : i32
    %dma_start3A_30 = arith.constant 0 : i32
    %dma_start3A_31 = tpu.memref_slice %arg2[%dma_start3A_29, %dma_start3A_30] : memref<512x32xf32, #tpu.memory_space<hbm>> -> memref<512x32xf32, #tpu.memory_space<hbm>>
    tpu.enqueue_indirect_dma source(%dma_start3A_31 : memref<512x32xf32, #tpu.memory_space<hbm>>) target(%dma_start3A_25 : memref<128x32xf32, #tpu.memory_space<vmem>>) offsets(%dma_start3A_28 : memref<128xi32, #tpu.memory_space<vmem>>) semaphore(%arg7 : memref<!tpu.dma_semaphore, #tpu.memory_space<semaphore_mem>>)
    %dma_start3A_32 = arith.constant 3 : i32
    %dma_start3A_33 = arith.constant 384 : i32
    %dma_start3A_34 = arith.constant 0 : i32
    %dma_start3A_35 = tpu.memref_slice %arg6[%dma_start3A_33, %dma_start3A_34] : memref<2048x32xf32, #tpu.memory_space<vmem>> -> memref<128x32xf32, #tpu.memory_space<vmem>>
    %dma_start3A_36 = arith.constant 0 : i32
    %dma_start3A_37 = tpu.memref_slice %arg5[%dma_start3A_32, %dma_start3A_36] : memref<16x128xi32, #tpu.memory_space<vmem>> -> memref<1x128xi32, #tpu.memory_space<vmem>>
    %dma_start3A_38 = tpu.memref_squeeze %dma_start3A_37 : memref<1x128xi32, #tpu.memory_space<vmem>> -> memref<128xi32, #tpu.memory_space<vmem>>
    %dma_start3A_39 = arith.constant 0 : i32
    %dma_start3A_40 = arith.constant 0 : i32
    %dma_start3A_41 = tpu.memref_slice %arg2[%dma_start3A_39, %dma_start3A_40] : memref<512x32xf32, #tpu.memory_space<hbm>> -> memref<512x32xf32, #tpu.memory_space<hbm>>
    tpu.enqueue_indirect_dma source(%dma_start3A_41 : memref<512x32xf32, #tpu.memory_space<hbm>>) target(%dma_start3A_35 : memref<128x32xf32, #tpu.memory_space<vmem>>) offsets(%dma_start3A_38 : memref<128xi32, #tpu.memory_space<vmem>>) semaphore(%arg7 : memref<!tpu.dma_semaphore, #tpu.memory_space<semaphore_mem>>)
    %dma_start3A_42 = arith.constant 4 : i32
    %dma_start3A_43 = arith.constant 512 : i32
    %dma_start3A_44 = arith.constant 0 : i32
    %dma_start3A_45 = tpu.memref_slice %arg6[%dma_start3A_43, %dma_start3A_44] : memref<2048x32xf32, #tpu.memory_space<vmem>> -> memref<128x32xf32, #tpu.memory_space<vmem>>
    %dma_start3A_46 = arith.constant 0 : i32
    %dma_start3A_47 = tpu.memref_slice %arg5[%dma_start3A_42, %dma_start3A_46] : memref<16x128xi32, #tpu.memory_space<vmem>> -> memref<1x128xi32, #tpu.memory_space<vmem>>
    %dma_start3A_48 = tpu.memref_squeeze %dma_start3A_47 : memref<1x128xi32, #tpu.memory_space<vmem>> -> memref<128xi32, #tpu.memory_space<vmem>>
    %dma_start3A_49 = arith.constant 0 : i32
    %dma_start3A_50 = arith.constant 0 : i32
    %dma_start3A_51 = tpu.memref_slice %arg2[%dma_start3A_49, %dma_start3A_50] : memref<512x32xf32, #tpu.memory_space<hbm>> -> memref<512x32xf32, #tpu.memory_space<hbm>>
    tpu.enqueue_indirect_dma source(%dma_start3A_51 : memref<512x32xf32, #tpu.memory_space<hbm>>) target(%dma_start3A_45 : memref<128x32xf32, #tpu.memory_space<vmem>>) offsets(%dma_start3A_48 : memref<128xi32, #tpu.memory_space<vmem>>) semaphore(%arg7 : memref<!tpu.dma_semaphore, #tpu.memory_space<semaphore_mem>>)
    %dma_start3A_52 = arith.constant 5 : i32
    %dma_start3A_53 = arith.constant 640 : i32
    %dma_start3A_54 = arith.constant 0 : i32
    %dma_start3A_55 = tpu.memref_slice %arg6[%dma_start3A_53, %dma_start3A_54] : memref<2048x32xf32, #tpu.memory_space<vmem>> -> memref<128x32xf32, #tpu.memory_space<vmem>>
    %dma_start3A_56 = arith.constant 0 : i32
    %dma_start3A_57 = tpu.memref_slice %arg5[%dma_start3A_52, %dma_start3A_56] : memref<16x128xi32, #tpu.memory_space<vmem>> -> memref<1x128xi32, #tpu.memory_space<vmem>>
    %dma_start3A_58 = tpu.memref_squeeze %dma_start3A_57 : memref<1x128xi32, #tpu.memory_space<vmem>> -> memref<128xi32, #tpu.memory_space<vmem>>
    %dma_start3A_59 = arith.constant 0 : i32
    %dma_start3A_60 = arith.constant 0 : i32
    %dma_start3A_61 = tpu.memref_slice %arg2[%dma_start3A_59, %dma_start3A_60] : memref<512x32xf32, #tpu.memory_space<hbm>> -> memref<512x32xf32, #tpu.memory_space<hbm>>
    tpu.enqueue_indirect_dma source(%dma_start3A_61 : memref<512x32xf32, #tpu.memory_space<hbm>>) target(%dma_start3A_55 : memref<128x32xf32, #tpu.memory_space<vmem>>) offsets(%dma_start3A_58 : memref<128xi32, #tpu.memory_space<vmem>>) semaphore(%arg7 : memref<!tpu.dma_semaphore, #tpu.memory_space<semaphore_mem>>)
    %dma_start3A_62 = arith.constant 6 : i32
    %dma_start3A_63 = arith.constant 768 : i32
    %dma_start3A_64 = arith.constant 0 : i32
    %dma_start3A_65 = tpu.memref_slice %arg6[%dma_start3A_63, %dma_start3A_64] : memref<2048x32xf32, #tpu.memory_space<vmem>> -> memref<128x32xf32, #tpu.memory_space<vmem>>
    %dma_start3A_66 = arith.constant 0 : i32
    %dma_start3A_67 = tpu.memref_slice %arg5[%dma_start3A_62, %dma_start3A_66] : memref<16x128xi32, #tpu.memory_space<vmem>> -> memref<1x128xi32, #tpu.memory_space<vmem>>
    %dma_start3A_68 = tpu.memref_squeeze %dma_start3A_67 : memref<1x128xi32, #tpu.memory_space<vmem>> -> memref<128xi32, #tpu.memory_space<vmem>>
    %dma_start3A_69 = arith.constant 0 : i32
    %dma_start3A_70 = arith.constant 0 : i32
    %dma_start3A_71 = tpu.memref_slice %arg2[%dma_start3A_69, %dma_start3A_70] : memref<512x32xf32, #tpu.memory_space<hbm>> -> memref<512x32xf32, #tpu.memory_space<hbm>>
    tpu.enqueue_indirect_dma source(%dma_start3A_71 : memref<512x32xf32, #tpu.memory_space<hbm>>) target(%dma_start3A_65 : memref<128x32xf32, #tpu.memory_space<vmem>>) offsets(%dma_start3A_68 : memref<128xi32, #tpu.memory_space<vmem>>) semaphore(%arg7 : memref<!tpu.dma_semaphore, #tpu.memory_space<semaphore_mem>>)
    %dma_start3A_72 = arith.constant 7 : i32
    %dma_start3A_73 = arith.constant 896 : i32
    %dma_start3A_74 = arith.constant 0 : i32
    %dma_start3A_75 = tpu.memref_slice %arg6[%dma_start3A_73, %dma_start3A_74] : memref<2048x32xf32, #tpu.memory_space<vmem>> -> memref<128x32xf32, #tpu.memory_space<vmem>>
    %dma_start3A_76 = arith.constant 0 : i32
    %dma_start3A_77 = tpu.memref_slice %arg5[%dma_start3A_72, %dma_start3A_76] : memref<16x128xi32, #tpu.memory_space<vmem>> -> memref<1x128xi32, #tpu.memory_space<vmem>>
    %dma_start3A_78 = tpu.memref_squeeze %dma_start3A_77 : memref<1x128xi32, #tpu.memory_space<vmem>> -> memref<128xi32, #tpu.memory_space<vmem>>
    %dma_start3A_79 = arith.constant 0 : i32
    %dma_start3A_80 = arith.constant 0 : i32
    %dma_start3A_81 = tpu.memref_slice %arg2[%dma_start3A_79, %dma_start3A_80] : memref<512x32xf32, #tpu.memory_space<hbm>> -> memref<512x32xf32, #tpu.memory_space<hbm>>
    tpu.enqueue_indirect_dma source(%dma_start3A_81 : memref<512x32xf32, #tpu.memory_space<hbm>>) target(%dma_start3A_75 : memref<128x32xf32, #tpu.memory_space<vmem>>) offsets(%dma_start3A_78 : memref<128xi32, #tpu.memory_space<vmem>>) semaphore(%arg7 : memref<!tpu.dma_semaphore, #tpu.memory_space<semaphore_mem>>)
    %dma_start3A_82 = arith.constant 8 : i32
    %dma_start3A_83 = arith.constant 1024 : i32
    %dma_start3A_84 = arith.constant 0 : i32
    %dma_start3A_85 = tpu.memref_slice %arg6[%dma_start3A_83, %dma_start3A_84] : memref<2048x32xf32, #tpu.memory_space<vmem>> -> memref<128x32xf32, #tpu.memory_space<vmem>>
    %dma_start3A_86 = arith.constant 0 : i32
    %dma_start3A_87 = tpu.memref_slice %arg5[%dma_start3A_82, %dma_start3A_86] : memref<16x128xi32, #tpu.memory_space<vmem>> -> memref<1x128xi32, #tpu.memory_space<vmem>>
    %dma_start3A_88 = tpu.memref_squeeze %dma_start3A_87 : memref<1x128xi32, #tpu.memory_space<vmem>> -> memref<128xi32, #tpu.memory_space<vmem>>
    %dma_start3A_89 = arith.constant 0 : i32
    %dma_start3A_90 = arith.constant 0 : i32
    %dma_start3A_91 = tpu.memref_slice %arg2[%dma_start3A_89, %dma_start3A_90] : memref<512x32xf32, #tpu.memory_space<hbm>> -> memref<512x32xf32, #tpu.memory_space<hbm>>
    tpu.enqueue_indirect_dma source(%dma_start3A_91 : memref<512x32xf32, #tpu.memory_space<hbm>>) target(%dma_start3A_85 : memref<128x32xf32, #tpu.memory_space<vmem>>) offsets(%dma_start3A_88 : memref<128xi32, #tpu.memory_space<vmem>>) semaphore(%arg7 : memref<!tpu.dma_semaphore, #tpu.memory_space<semaphore_mem>>)
    %dma_start3A_92 = arith.constant 9 : i32
    %dma_start3A_93 = arith.constant 1152 : i32
    %dma_start3A_94 = arith.constant 0 : i32
    %dma_start3A_95 = tpu.memref_slice %arg6[%dma_start3A_93, %dma_start3A_94] : memref<2048x32xf32, #tpu.memory_space<vmem>> -> memref<128x32xf32, #tpu.memory_space<vmem>>
    %dma_start3A_96 = arith.constant 0 : i32
    %dma_start3A_97 = tpu.memref_slice %arg5[%dma_start3A_92, %dma_start3A_96] : memref<16x128xi32, #tpu.memory_space<vmem>> -> memref<1x128xi32, #tpu.memory_space<vmem>>
    %dma_start3A_98 = tpu.memref_squeeze %dma_start3A_97 : memref<1x128xi32, #tpu.memory_space<vmem>> -> memref<128xi32, #tpu.memory_space<vmem>>
    %dma_start3A_99 = arith.constant 0 : i32
    %dma_start3A_100 = arith.constant 0 : i32
    %dma_start3A_101 = tpu.memref_slice %arg2[%dma_start3A_99, %dma_start3A_100] : memref<512x32xf32, #tpu.memory_space<hbm>> -> memref<512x32xf32, #tpu.memory_space<hbm>>
    tpu.enqueue_indirect_dma source(%dma_start3A_101 : memref<512x32xf32, #tpu.memory_space<hbm>>) target(%dma_start3A_95 : memref<128x32xf32, #tpu.memory_space<vmem>>) offsets(%dma_start3A_98 : memref<128xi32, #tpu.memory_space<vmem>>) semaphore(%arg7 : memref<!tpu.dma_semaphore, #tpu.memory_space<semaphore_mem>>)
    %dma_start3A_102 = arith.constant 10 : i32
    %dma_start3A_103 = arith.constant 1280 : i32
    %dma_start3A_104 = arith.constant 0 : i32
    %dma_start3A_105 = tpu.memref_slice %arg6[%dma_start3A_103, %dma_start3A_104] : memref<2048x32xf32, #tpu.memory_space<vmem>> -> memref<128x32xf32, #tpu.memory_space<vmem>>
    %dma_start3A_106 = arith.constant 0 : i32
    %dma_start3A_107 = tpu.memref_slice %arg5[%dma_start3A_102, %dma_start3A_106] : memref<16x128xi32, #tpu.memory_space<vmem>> -> memref<1x128xi32, #tpu.memory_space<vmem>>
    %dma_start3A_108 = tpu.memref_squeeze %dma_start3A_107 : memref<1x128xi32, #tpu.memory_space<vmem>> -> memref<128xi32, #tpu.memory_space<vmem>>
    %dma_start3A_109 = arith.constant 0 : i32
    %dma_start3A_110 = arith.constant 0 : i32
    %dma_start3A_111 = tpu.memref_slice %arg2[%dma_start3A_109, %dma_start3A_110] : memref<512x32xf32, #tpu.memory_space<hbm>> -> memref<512x32xf32, #tpu.memory_space<hbm>>
    tpu.enqueue_indirect_dma source(%dma_start3A_111 : memref<512x32xf32, #tpu.memory_space<hbm>>) target(%dma_start3A_105 : memref<128x32xf32, #tpu.memory_space<vmem>>) offsets(%dma_start3A_108 : memref<128xi32, #tpu.memory_space<vmem>>) semaphore(%arg7 : memref<!tpu.dma_semaphore, #tpu.memory_space<semaphore_mem>>)
    %dma_start3A_112 = arith.constant 11 : i32
    %dma_start3A_113 = arith.constant 1408 : i32
    %dma_start3A_114 = arith.constant 0 : i32
    %dma_start3A_115 = tpu.memref_slice %arg6[%dma_start3A_113, %dma_start3A_114] : memref<2048x32xf32, #tpu.memory_space<vmem>> -> memref<128x32xf32, #tpu.memory_space<vmem>>
    %dma_start3A_116 = arith.constant 0 : i32
    %dma_start3A_117 = tpu.memref_slice %arg5[%dma_start3A_112, %dma_start3A_116] : memref<16x128xi32, #tpu.memory_space<vmem>> -> memref<1x128xi32, #tpu.memory_space<vmem>>
    %dma_start3A_118 = tpu.memref_squeeze %dma_start3A_117 : memref<1x128xi32, #tpu.memory_space<vmem>> -> memref<128xi32, #tpu.memory_space<vmem>>
    %dma_start3A_119 = arith.constant 0 : i32
    %dma_start3A_120 = arith.constant 0 : i32
    %dma_start3A_121 = tpu.memref_slice %arg2[%dma_start3A_119, %dma_start3A_120] : memref<512x32xf32, #tpu.memory_space<hbm>> -> memref<512x32xf32, #tpu.memory_space<hbm>>
    tpu.enqueue_indirect_dma source(%dma_start3A_121 : memref<512x32xf32, #tpu.memory_space<hbm>>) target(%dma_start3A_115 : memref<128x32xf32, #tpu.memory_space<vmem>>) offsets(%dma_start3A_118 : memref<128xi32, #tpu.memory_space<vmem>>) semaphore(%arg7 : memref<!tpu.dma_semaphore, #tpu.memory_space<semaphore_mem>>)
    %dma_start3A_122 = arith.constant 12 : i32
    %dma_start3A_123 = arith.constant 1536 : i32
    %dma_start3A_124 = arith.constant 0 : i32
    %dma_start3A_125 = tpu.memref_slice %arg6[%dma_start3A_123, %dma_start3A_124] : memref<2048x32xf32, #tpu.memory_space<vmem>> -> memref<128x32xf32, #tpu.memory_space<vmem>>
    %dma_start3A_126 = arith.constant 0 : i32
    %dma_start3A_127 = tpu.memref_slice %arg5[%dma_start3A_122, %dma_start3A_126] : memref<16x128xi32, #tpu.memory_space<vmem>> -> memref<1x128xi32, #tpu.memory_space<vmem>>
    %dma_start3A_128 = tpu.memref_squeeze %dma_start3A_127 : memref<1x128xi32, #tpu.memory_space<vmem>> -> memref<128xi32, #tpu.memory_space<vmem>>
    %dma_start3A_129 = arith.constant 0 : i32
    %dma_start3A_130 = arith.constant 0 : i32
    %dma_start3A_131 = tpu.memref_slice %arg2[%dma_start3A_129, %dma_start3A_130] : memref<512x32xf32, #tpu.memory_space<hbm>> -> memref<512x32xf32, #tpu.memory_space<hbm>>
    tpu.enqueue_indirect_dma source(%dma_start3A_131 : memref<512x32xf32, #tpu.memory_space<hbm>>) target(%dma_start3A_125 : memref<128x32xf32, #tpu.memory_space<vmem>>) offsets(%dma_start3A_128 : memref<128xi32, #tpu.memory_space<vmem>>) semaphore(%arg7 : memref<!tpu.dma_semaphore, #tpu.memory_space<semaphore_mem>>)
    %dma_start3A_132 = arith.constant 13 : i32
    %dma_start3A_133 = arith.constant 1664 : i32
    %dma_start3A_134 = arith.constant 0 : i32
    %dma_start3A_135 = tpu.memref_slice %arg6[%dma_start3A_133, %dma_start3A_134] : memref<2048x32xf32, #tpu.memory_space<vmem>> -> memref<128x32xf32, #tpu.memory_space<vmem>>
    %dma_start3A_136 = arith.constant 0 : i32
    %dma_start3A_137 = tpu.memref_slice %arg5[%dma_start3A_132, %dma_start3A_136] : memref<16x128xi32, #tpu.memory_space<vmem>> -> memref<1x128xi32, #tpu.memory_space<vmem>>
    %dma_start3A_138 = tpu.memref_squeeze %dma_start3A_137 : memref<1x128xi32, #tpu.memory_space<vmem>> -> memref<128xi32, #tpu.memory_space<vmem>>
    %dma_start3A_139 = arith.constant 0 : i32
    %dma_start3A_140 = arith.constant 0 : i32
    %dma_start3A_141 = tpu.memref_slice %arg2[%dma_start3A_139, %dma_start3A_140] : memref<512x32xf32, #tpu.memory_space<hbm>> -> memref<512x32xf32, #tpu.memory_space<hbm>>
    tpu.enqueue_indirect_dma source(%dma_start3A_141 : memref<512x32xf32, #tpu.memory_space<hbm>>) target(%dma_start3A_135 : memref<128x32xf32, #tpu.memory_space<vmem>>) offsets(%dma_start3A_138 : memref<128xi32, #tpu.memory_space<vmem>>) semaphore(%arg7 : memref<!tpu.dma_semaphore, #tpu.memory_space<semaphore_mem>>)
    %dma_start3A_142 = arith.constant 14 : i32
    %dma_start3A_143 = arith.constant 1792 : i32
    %dma_start3A_144 = arith.constant 0 : i32
    %dma_start3A_145 = tpu.memref_slice %arg6[%dma_start3A_143, %dma_start3A_144] : memref<2048x32xf32, #tpu.memory_space<vmem>> -> memref<128x32xf32, #tpu.memory_space<vmem>>
    %dma_start3A_146 = arith.constant 0 : i32
    %dma_start3A_147 = tpu.memref_slice %arg5[%dma_start3A_142, %dma_start3A_146] : memref<16x128xi32, #tpu.memory_space<vmem>> -> memref<1x128xi32, #tpu.memory_space<vmem>>
    %dma_start3A_148 = tpu.memref_squeeze %dma_start3A_147 : memref<1x128xi32, #tpu.memory_space<vmem>> -> memref<128xi32, #tpu.memory_space<vmem>>
    %dma_start3A_149 = arith.constant 0 : i32
    %dma_start3A_150 = arith.constant 0 : i32
    %dma_start3A_151 = tpu.memref_slice %arg2[%dma_start3A_149, %dma_start3A_150] : memref<512x32xf32, #tpu.memory_space<hbm>> -> memref<512x32xf32, #tpu.memory_space<hbm>>
    tpu.enqueue_indirect_dma source(%dma_start3A_151 : memref<512x32xf32, #tpu.memory_space<hbm>>) target(%dma_start3A_145 : memref<128x32xf32, #tpu.memory_space<vmem>>) offsets(%dma_start3A_148 : memref<128xi32, #tpu.memory_space<vmem>>) semaphore(%arg7 : memref<!tpu.dma_semaphore, #tpu.memory_space<semaphore_mem>>)
    %dma_start3A_152 = arith.constant 15 : i32
    %dma_start3A_153 = arith.constant 1920 : i32
    %dma_start3A_154 = arith.constant 0 : i32
    %dma_start3A_155 = tpu.memref_slice %arg6[%dma_start3A_153, %dma_start3A_154] : memref<2048x32xf32, #tpu.memory_space<vmem>> -> memref<128x32xf32, #tpu.memory_space<vmem>>
    %dma_start3A_156 = arith.constant 0 : i32
    %dma_start3A_157 = tpu.memref_slice %arg5[%dma_start3A_152, %dma_start3A_156] : memref<16x128xi32, #tpu.memory_space<vmem>> -> memref<1x128xi32, #tpu.memory_space<vmem>>
    %dma_start3A_158 = tpu.memref_squeeze %dma_start3A_157 : memref<1x128xi32, #tpu.memory_space<vmem>> -> memref<128xi32, #tpu.memory_space<vmem>>
    %dma_start3A_159 = arith.constant 0 : i32
    %dma_start3A_160 = arith.constant 0 : i32
    %dma_start3A_161 = tpu.memref_slice %arg2[%dma_start3A_159, %dma_start3A_160] : memref<512x32xf32, #tpu.memory_space<hbm>> -> memref<512x32xf32, #tpu.memory_space<hbm>>
    tpu.enqueue_indirect_dma source(%dma_start3A_161 : memref<512x32xf32, #tpu.memory_space<hbm>>) target(%dma_start3A_155 : memref<128x32xf32, #tpu.memory_space<vmem>>) offsets(%dma_start3A_158 : memref<128xi32, #tpu.memory_space<vmem>>) semaphore(%arg7 : memref<!tpu.dma_semaphore, #tpu.memory_space<semaphore_mem>>)
    %dma_wait3A = arith.constant 0 : i32
    %dma_wait3A_162 = arith.constant 0 : i32
    %dma_wait3A_163 = arith.constant 0 : i32
    %dma_wait3A_164 = tpu.memref_slice %arg6[%dma_wait3A_162, %dma_wait3A_163] : memref<2048x32xf32, #tpu.memory_space<vmem>> -> memref<128x32xf32, #tpu.memory_space<vmem>>
    %dma_wait3A_165 = arith.constant 0 : i32
    %dma_wait3A_166 = tpu.memref_slice %arg5[%dma_wait3A, %dma_wait3A_165] : memref<16x128xi32, #tpu.memory_space<vmem>> -> memref<1x128xi32, #tpu.memory_space<vmem>>
    %dma_wait3A_167 = tpu.memref_squeeze %dma_wait3A_166 : memref<1x128xi32, #tpu.memory_space<vmem>> -> memref<128xi32, #tpu.memory_space<vmem>>
    %dma_wait3A_168 = arith.constant 0 : i32
    %dma_wait3A_169 = arith.constant 0 : i32
    %dma_wait3A_170 = tpu.memref_slice %arg2[%dma_wait3A_168, %dma_wait3A_169] : memref<512x32xf32, #tpu.memory_space<hbm>> -> memref<512x32xf32, #tpu.memory_space<hbm>>
    tpu.wait_indirect_dma semaphore(%arg7 : memref<!tpu.dma_semaphore, #tpu.memory_space<semaphore_mem>>) src(%dma_wait3A_170 : memref<512x32xf32, #tpu.memory_space<hbm>>) dst(%dma_wait3A_164 : memref<128x32xf32, #tpu.memory_space<vmem>>)
    %dma_wait3A_171 = arith.constant 1 : i32
    %dma_wait3A_172 = arith.constant 128 : i32
    %dma_wait3A_173 = arith.constant 0 : i32
    %dma_wait3A_174 = tpu.memref_slice %arg6[%dma_wait3A_172, %dma_wait3A_173] : memref<2048x32xf32, #tpu.memory_space<vmem>> -> memref<128x32xf32, #tpu.memory_space<vmem>>
    %dma_wait3A_175 = arith.constant 0 : i32
    %dma_wait3A_176 = tpu.memref_slice %arg5[%dma_wait3A_171, %dma_wait3A_175] : memref<16x128xi32, #tpu.memory_space<vmem>> -> memref<1x128xi32, #tpu.memory_space<vmem>>
    %dma_wait3A_177 = tpu.memref_squeeze %dma_wait3A_176 : memref<1x128xi32, #tpu.memory_space<vmem>> -> memref<128xi32, #tpu.memory_space<vmem>>
    %dma_wait3A_178 = arith.constant 0 : i32
    %dma_wait3A_179 = arith.constant 0 : i32
    %dma_wait3A_180 = tpu.memref_slice %arg2[%dma_wait3A_178, %dma_wait3A_179] : memref<512x32xf32, #tpu.memory_space<hbm>> -> memref<512x32xf32, #tpu.memory_space<hbm>>
    tpu.wait_indirect_dma semaphore(%arg7 : memref<!tpu.dma_semaphore, #tpu.memory_space<semaphore_mem>>) src(%dma_wait3A_180 : memref<512x32xf32, #tpu.memory_space<hbm>>) dst(%dma_wait3A_174 : memref<128x32xf32, #tpu.memory_space<vmem>>)
    %dma_wait3A_181 = arith.constant 2 : i32
    %dma_wait3A_182 = arith.constant 256 : i32
    %dma_wait3A_183 = arith.constant 0 : i32
    %dma_wait3A_184 = tpu.memref_slice %arg6[%dma_wait3A_182, %dma_wait3A_183] : memref<2048x32xf32, #tpu.memory_space<vmem>> -> memref<128x32xf32, #tpu.memory_space<vmem>>
    %dma_wait3A_185 = arith.constant 0 : i32
    %dma_wait3A_186 = tpu.memref_slice %arg5[%dma_wait3A_181, %dma_wait3A_185] : memref<16x128xi32, #tpu.memory_space<vmem>> -> memref<1x128xi32, #tpu.memory_space<vmem>>
    %dma_wait3A_187 = tpu.memref_squeeze %dma_wait3A_186 : memref<1x128xi32, #tpu.memory_space<vmem>> -> memref<128xi32, #tpu.memory_space<vmem>>
    %dma_wait3A_188 = arith.constant 0 : i32
    %dma_wait3A_189 = arith.constant 0 : i32
    %dma_wait3A_190 = tpu.memref_slice %arg2[%dma_wait3A_188, %dma_wait3A_189] : memref<512x32xf32, #tpu.memory_space<hbm>> -> memref<512x32xf32, #tpu.memory_space<hbm>>
    tpu.wait_indirect_dma semaphore(%arg7 : memref<!tpu.dma_semaphore, #tpu.memory_space<semaphore_mem>>) src(%dma_wait3A_190 : memref<512x32xf32, #tpu.memory_space<hbm>>) dst(%dma_wait3A_184 : memref<128x32xf32, #tpu.memory_space<vmem>>)
    %dma_wait3A_191 = arith.constant 3 : i32
    %dma_wait3A_192 = arith.constant 384 : i32
    %dma_wait3A_193 = arith.constant 0 : i32
    %dma_wait3A_194 = tpu.memref_slice %arg6[%dma_wait3A_192, %dma_wait3A_193] : memref<2048x32xf32, #tpu.memory_space<vmem>> -> memref<128x32xf32, #tpu.memory_space<vmem>>
    %dma_wait3A_195 = arith.constant 0 : i32
    %dma_wait3A_196 = tpu.memref_slice %arg5[%dma_wait3A_191, %dma_wait3A_195] : memref<16x128xi32, #tpu.memory_space<vmem>> -> memref<1x128xi32, #tpu.memory_space<vmem>>
    %dma_wait3A_197 = tpu.memref_squeeze %dma_wait3A_196 : memref<1x128xi32, #tpu.memory_space<vmem>> -> memref<128xi32, #tpu.memory_space<vmem>>
    %dma_wait3A_198 = arith.constant 0 : i32
    %dma_wait3A_199 = arith.constant 0 : i32
    %dma_wait3A_200 = tpu.memref_slice %arg2[%dma_wait3A_198, %dma_wait3A_199] : memref<512x32xf32, #tpu.memory_space<hbm>> -> memref<512x32xf32, #tpu.memory_space<hbm>>
    tpu.wait_indirect_dma semaphore(%arg7 : memref<!tpu.dma_semaphore, #tpu.memory_space<semaphore_mem>>) src(%dma_wait3A_200 : memref<512x32xf32, #tpu.memory_space<hbm>>) dst(%dma_wait3A_194 : memref<128x32xf32, #tpu.memory_space<vmem>>)
    %dma_wait3A_201 = arith.constant 4 : i32
    %dma_wait3A_202 = arith.constant 512 : i32
    %dma_wait3A_203 = arith.constant 0 : i32
    %dma_wait3A_204 = tpu.memref_slice %arg6[%dma_wait3A_202, %dma_wait3A_203] : memref<2048x32xf32, #tpu.memory_space<vmem>> -> memref<128x32xf32, #tpu.memory_space<vmem>>
    %dma_wait3A_205 = arith.constant 0 : i32
    %dma_wait3A_206 = tpu.memref_slice %arg5[%dma_wait3A_201, %dma_wait3A_205] : memref<16x128xi32, #tpu.memory_space<vmem>> -> memref<1x128xi32, #tpu.memory_space<vmem>>
    %dma_wait3A_207 = tpu.memref_squeeze %dma_wait3A_206 : memref<1x128xi32, #tpu.memory_space<vmem>> -> memref<128xi32, #tpu.memory_space<vmem>>
    %dma_wait3A_208 = arith.constant 0 : i32
    %dma_wait3A_209 = arith.constant 0 : i32
    %dma_wait3A_210 = tpu.memref_slice %arg2[%dma_wait3A_208, %dma_wait3A_209] : memref<512x32xf32, #tpu.memory_space<hbm>> -> memref<512x32xf32, #tpu.memory_space<hbm>>
    tpu.wait_indirect_dma semaphore(%arg7 : memref<!tpu.dma_semaphore, #tpu.memory_space<semaphore_mem>>) src(%dma_wait3A_210 : memref<512x32xf32, #tpu.memory_space<hbm>>) dst(%dma_wait3A_204 : memref<128x32xf32, #tpu.memory_space<vmem>>)
    %dma_wait3A_211 = arith.constant 5 : i32
    %dma_wait3A_212 = arith.constant 640 : i32
    %dma_wait3A_213 = arith.constant 0 : i32
    %dma_wait3A_214 = tpu.memref_slice %arg6[%dma_wait3A_212, %dma_wait3A_213] : memref<2048x32xf32, #tpu.memory_space<vmem>> -> memref<128x32xf32, #tpu.memory_space<vmem>>
    %dma_wait3A_215 = arith.constant 0 : i32
    %dma_wait3A_216 = tpu.memref_slice %arg5[%dma_wait3A_211, %dma_wait3A_215] : memref<16x128xi32, #tpu.memory_space<vmem>> -> memref<1x128xi32, #tpu.memory_space<vmem>>
    %dma_wait3A_217 = tpu.memref_squeeze %dma_wait3A_216 : memref<1x128xi32, #tpu.memory_space<vmem>> -> memref<128xi32, #tpu.memory_space<vmem>>
    %dma_wait3A_218 = arith.constant 0 : i32
    %dma_wait3A_219 = arith.constant 0 : i32
    %dma_wait3A_220 = tpu.memref_slice %arg2[%dma_wait3A_218, %dma_wait3A_219] : memref<512x32xf32, #tpu.memory_space<hbm>> -> memref<512x32xf32, #tpu.memory_space<hbm>>
    tpu.wait_indirect_dma semaphore(%arg7 : memref<!tpu.dma_semaphore, #tpu.memory_space<semaphore_mem>>) src(%dma_wait3A_220 : memref<512x32xf32, #tpu.memory_space<hbm>>) dst(%dma_wait3A_214 : memref<128x32xf32, #tpu.memory_space<vmem>>)
    %dma_wait3A_221 = arith.constant 6 : i32
    %dma_wait3A_222 = arith.constant 768 : i32
    %dma_wait3A_223 = arith.constant 0 : i32
    %dma_wait3A_224 = tpu.memref_slice %arg6[%dma_wait3A_222, %dma_wait3A_223] : memref<2048x32xf32, #tpu.memory_space<vmem>> -> memref<128x32xf32, #tpu.memory_space<vmem>>
    %dma_wait3A_225 = arith.constant 0 : i32
    %dma_wait3A_226 = tpu.memref_slice %arg5[%dma_wait3A_221, %dma_wait3A_225] : memref<16x128xi32, #tpu.memory_space<vmem>> -> memref<1x128xi32, #tpu.memory_space<vmem>>
    %dma_wait3A_227 = tpu.memref_squeeze %dma_wait3A_226 : memref<1x128xi32, #tpu.memory_space<vmem>> -> memref<128xi32, #tpu.memory_space<vmem>>
    %dma_wait3A_228 = arith.constant 0 : i32
    %dma_wait3A_229 = arith.constant 0 : i32
    %dma_wait3A_230 = tpu.memref_slice %arg2[%dma_wait3A_228, %dma_wait3A_229] : memref<512x32xf32, #tpu.memory_space<hbm>> -> memref<512x32xf32, #tpu.memory_space<hbm>>
    tpu.wait_indirect_dma semaphore(%arg7 : memref<!tpu.dma_semaphore, #tpu.memory_space<semaphore_mem>>) src(%dma_wait3A_230 : memref<512x32xf32, #tpu.memory_space<hbm>>) dst(%dma_wait3A_224 : memref<128x32xf32, #tpu.memory_space<vmem>>)
    %dma_wait3A_231 = arith.constant 7 : i32
    %dma_wait3A_232 = arith.constant 896 : i32
    %dma_wait3A_233 = arith.constant 0 : i32
    %dma_wait3A_234 = tpu.memref_slice %arg6[%dma_wait3A_232, %dma_wait3A_233] : memref<2048x32xf32, #tpu.memory_space<vmem>> -> memref<128x32xf32, #tpu.memory_space<vmem>>
    %dma_wait3A_235 = arith.constant 0 : i32
    %dma_wait3A_236 = tpu.memref_slice %arg5[%dma_wait3A_231, %dma_wait3A_235] : memref<16x128xi32, #tpu.memory_space<vmem>> -> memref<1x128xi32, #tpu.memory_space<vmem>>
    %dma_wait3A_237 = tpu.memref_squeeze %dma_wait3A_236 : memref<1x128xi32, #tpu.memory_space<vmem>> -> memref<128xi32, #tpu.memory_space<vmem>>
    %dma_wait3A_238 = arith.constant 0 : i32
    %dma_wait3A_239 = arith.constant 0 : i32
    %dma_wait3A_240 = tpu.memref_slice %arg2[%dma_wait3A_238, %dma_wait3A_239] : memref<512x32xf32, #tpu.memory_space<hbm>> -> memref<512x32xf32, #tpu.memory_space<hbm>>
    tpu.wait_indirect_dma semaphore(%arg7 : memref<!tpu.dma_semaphore, #tpu.memory_space<semaphore_mem>>) src(%dma_wait3A_240 : memref<512x32xf32, #tpu.memory_space<hbm>>) dst(%dma_wait3A_234 : memref<128x32xf32, #tpu.memory_space<vmem>>)
    %mul3A_241 = arith.constant 2 : i32
    %mul3A_242 = arith.muli %add3A, %mul3A_241 : i32
    %add3A_243 = arith.constant 0 : i32
    %add3A_244 = arith.addi %add3A_243, %mul3A_242 : i32
    %add3A_245 = arith.constant 0 : i32
    %add3A_246 = arith.addi %add3A_244, %add3A_245 : i32
    %dma_start3A_247 = arith.constant 0 : i32
    %dma_start3A_248 = arith.constant 0 : i32
    %dma_start3A_249 = tpu.memref_slice %arg6[%dma_start3A_247, %dma_start3A_248] : memref<2048x32xf32, #tpu.memory_space<vmem>> -> memref<1024x32xf32, #tpu.memory_space<vmem>>
    %dma_start3A_250 = arith.constant 0 : i32
    %dma_start3A_251 = arith.constant 0 : i32
    %dma_start3A_252 = tpu.memref_slice %arg4[%add3A_246, %dma_start3A_250, %dma_start3A_251] : memref<64x1024x32xf32, #tpu.memory_space<hbm>> -> memref<1x1024x32xf32, #tpu.memory_space<hbm>>
    %dma_start3A_253 = tpu.memref_squeeze %dma_start3A_252 : memref<1x1024x32xf32, #tpu.memory_space<hbm>> -> memref<1024x32xf32, #tpu.memory_space<hbm>>
    %dma_start3A_254 = arith.constant 0 : i32
    %dma_start3A_255 = arith.constant 0 : i32
    %dma_start3A_256 = tpu.memref_slice %arg4[%add3A_246, %dma_start3A_254, %dma_start3A_255] : memref<64x1024x32xf32, #tpu.memory_space<hbm>> -> memref<1x1024x32xf32, #tpu.memory_space<hbm>>
    %dma_start3A_257 = tpu.memref_squeeze %dma_start3A_256 : memref<1x1024x32xf32, #tpu.memory_space<hbm>> -> memref<1024x32xf32, #tpu.memory_space<hbm>>
    %dma_start3A_258 = arith.constant 0 : i32
    %dma_start3A_259 = arith.constant 0 : i32
    %dma_start3A_260 = tpu.memref_slice %arg6[%dma_start3A_258, %dma_start3A_259] : memref<2048x32xf32, #tpu.memory_space<vmem>> -> memref<1024x32xf32, #tpu.memory_space<vmem>>
    tpu.enqueue_dma source(%dma_start3A_260 : memref<1024x32xf32, #tpu.memory_space<vmem>>) target(%dma_start3A_257 : memref<1024x32xf32, #tpu.memory_space<hbm>>) target_semaphore(%arg8 : memref<!tpu.dma_semaphore, #tpu.memory_space<semaphore_mem>>)
    %dma_wait3A_261 = arith.constant 8 : i32
    %dma_wait3A_262 = arith.constant 1024 : i32
    %dma_wait3A_263 = arith.constant 0 : i32
    %dma_wait3A_264 = tpu.memref_slice %arg6[%dma_wait3A_262, %dma_wait3A_263] : memref<2048x32xf32, #tpu.memory_space<vmem>> -> memref<128x32xf32, #tpu.memory_space<vmem>>
    %dma_wait3A_265 = arith.constant 0 : i32
    %dma_wait3A_266 = tpu.memref_slice %arg5[%dma_wait3A_261, %dma_wait3A_265] : memref<16x128xi32, #tpu.memory_space<vmem>> -> memref<1x128xi32, #tpu.memory_space<vmem>>
    %dma_wait3A_267 = tpu.memref_squeeze %dma_wait3A_266 : memref<1x128xi32, #tpu.memory_space<vmem>> -> memref<128xi32, #tpu.memory_space<vmem>>
    %dma_wait3A_268 = arith.constant 0 : i32
    %dma_wait3A_269 = arith.constant 0 : i32
    %dma_wait3A_270 = tpu.memref_slice %arg2[%dma_wait3A_268, %dma_wait3A_269] : memref<512x32xf32, #tpu.memory_space<hbm>> -> memref<512x32xf32, #tpu.memory_space<hbm>>
    tpu.wait_indirect_dma semaphore(%arg7 : memref<!tpu.dma_semaphore, #tpu.memory_space<semaphore_mem>>) src(%dma_wait3A_270 : memref<512x32xf32, #tpu.memory_space<hbm>>) dst(%dma_wait3A_264 : memref<128x32xf32, #tpu.memory_space<vmem>>)
    %dma_wait3A_271 = arith.constant 9 : i32
    %dma_wait3A_272 = arith.constant 1152 : i32
    %dma_wait3A_273 = arith.constant 0 : i32
    %dma_wait3A_274 = tpu.memref_slice %arg6[%dma_wait3A_272, %dma_wait3A_273] : memref<2048x32xf32, #tpu.memory_space<vmem>> -> memref<128x32xf32, #tpu.memory_space<vmem>>
    %dma_wait3A_275 = arith.constant 0 : i32
    %dma_wait3A_276 = tpu.memref_slice %arg5[%dma_wait3A_271, %dma_wait3A_275] : memref<16x128xi32, #tpu.memory_space<vmem>> -> memref<1x128xi32, #tpu.memory_space<vmem>>
    %dma_wait3A_277 = tpu.memref_squeeze %dma_wait3A_276 : memref<1x128xi32, #tpu.memory_space<vmem>> -> memref<128xi32, #tpu.memory_space<vmem>>
    %dma_wait3A_278 = arith.constant 0 : i32
    %dma_wait3A_279 = arith.constant 0 : i32
    %dma_wait3A_280 = tpu.memref_slice %arg2[%dma_wait3A_278, %dma_wait3A_279] : memref<512x32xf32, #tpu.memory_space<hbm>> -> memref<512x32xf32, #tpu.memory_space<hbm>>
    tpu.wait_indirect_dma semaphore(%arg7 : memref<!tpu.dma_semaphore, #tpu.memory_space<semaphore_mem>>) src(%dma_wait3A_280 : memref<512x32xf32, #tpu.memory_space<hbm>>) dst(%dma_wait3A_274 : memref<128x32xf32, #tpu.memory_space<vmem>>)
    %dma_wait3A_281 = arith.constant 10 : i32
    %dma_wait3A_282 = arith.constant 1280 : i32
    %dma_wait3A_283 = arith.constant 0 : i32
    %dma_wait3A_284 = tpu.memref_slice %arg6[%dma_wait3A_282, %dma_wait3A_283] : memref<2048x32xf32, #tpu.memory_space<vmem>> -> memref<128x32xf32, #tpu.memory_space<vmem>>
    %dma_wait3A_285 = arith.constant 0 : i32
    %dma_wait3A_286 = tpu.memref_slice %arg5[%dma_wait3A_281, %dma_wait3A_285] : memref<16x128xi32, #tpu.memory_space<vmem>> -> memref<1x128xi32, #tpu.memory_space<vmem>>
    %dma_wait3A_287 = tpu.memref_squeeze %dma_wait3A_286 : memref<1x128xi32, #tpu.memory_space<vmem>> -> memref<128xi32, #tpu.memory_space<vmem>>
    %dma_wait3A_288 = arith.constant 0 : i32
    %dma_wait3A_289 = arith.constant 0 : i32
    %dma_wait3A_290 = tpu.memref_slice %arg2[%dma_wait3A_288, %dma_wait3A_289] : memref<512x32xf32, #tpu.memory_space<hbm>> -> memref<512x32xf32, #tpu.memory_space<hbm>>
    tpu.wait_indirect_dma semaphore(%arg7 : memref<!tpu.dma_semaphore, #tpu.memory_space<semaphore_mem>>) src(%dma_wait3A_290 : memref<512x32xf32, #tpu.memory_space<hbm>>) dst(%dma_wait3A_284 : memref<128x32xf32, #tpu.memory_space<vmem>>)
    %dma_wait3A_291 = arith.constant 11 : i32
    %dma_wait3A_292 = arith.constant 1408 : i32
    %dma_wait3A_293 = arith.constant 0 : i32
    %dma_wait3A_294 = tpu.memref_slice %arg6[%dma_wait3A_292, %dma_wait3A_293] : memref<2048x32xf32, #tpu.memory_space<vmem>> -> memref<128x32xf32, #tpu.memory_space<vmem>>
    %dma_wait3A_295 = arith.constant 0 : i32
    %dma_wait3A_296 = tpu.memref_slice %arg5[%dma_wait3A_291, %dma_wait3A_295] : memref<16x128xi32, #tpu.memory_space<vmem>> -> memref<1x128xi32, #tpu.memory_space<vmem>>
    %dma_wait3A_297 = tpu.memref_squeeze %dma_wait3A_296 : memref<1x128xi32, #tpu.memory_space<vmem>> -> memref<128xi32, #tpu.memory_space<vmem>>
    %dma_wait3A_298 = arith.constant 0 : i32
    %dma_wait3A_299 = arith.constant 0 : i32
    %dma_wait3A_300 = tpu.memref_slice %arg2[%dma_wait3A_298, %dma_wait3A_299] : memref<512x32xf32, #tpu.memory_space<hbm>> -> memref<512x32xf32, #tpu.memory_space<hbm>>
    tpu.wait_indirect_dma semaphore(%arg7 : memref<!tpu.dma_semaphore, #tpu.memory_space<semaphore_mem>>) src(%dma_wait3A_300 : memref<512x32xf32, #tpu.memory_space<hbm>>) dst(%dma_wait3A_294 : memref<128x32xf32, #tpu.memory_space<vmem>>)
    %dma_wait3A_301 = arith.constant 12 : i32
    %dma_wait3A_302 = arith.constant 1536 : i32
    %dma_wait3A_303 = arith.constant 0 : i32
    %dma_wait3A_304 = tpu.memref_slice %arg6[%dma_wait3A_302, %dma_wait3A_303] : memref<2048x32xf32, #tpu.memory_space<vmem>> -> memref<128x32xf32, #tpu.memory_space<vmem>>
    %dma_wait3A_305 = arith.constant 0 : i32
    %dma_wait3A_306 = tpu.memref_slice %arg5[%dma_wait3A_301, %dma_wait3A_305] : memref<16x128xi32, #tpu.memory_space<vmem>> -> memref<1x128xi32, #tpu.memory_space<vmem>>
    %dma_wait3A_307 = tpu.memref_squeeze %dma_wait3A_306 : memref<1x128xi32, #tpu.memory_space<vmem>> -> memref<128xi32, #tpu.memory_space<vmem>>
    %dma_wait3A_308 = arith.constant 0 : i32
    %dma_wait3A_309 = arith.constant 0 : i32
    %dma_wait3A_310 = tpu.memref_slice %arg2[%dma_wait3A_308, %dma_wait3A_309] : memref<512x32xf32, #tpu.memory_space<hbm>> -> memref<512x32xf32, #tpu.memory_space<hbm>>
    tpu.wait_indirect_dma semaphore(%arg7 : memref<!tpu.dma_semaphore, #tpu.memory_space<semaphore_mem>>) src(%dma_wait3A_310 : memref<512x32xf32, #tpu.memory_space<hbm>>) dst(%dma_wait3A_304 : memref<128x32xf32, #tpu.memory_space<vmem>>)
    %dma_wait3A_311 = arith.constant 13 : i32
    %dma_wait3A_312 = arith.constant 1664 : i32
    %dma_wait3A_313 = arith.constant 0 : i32
    %dma_wait3A_314 = tpu.memref_slice %arg6[%dma_wait3A_312, %dma_wait3A_313] : memref<2048x32xf32, #tpu.memory_space<vmem>> -> memref<128x32xf32, #tpu.memory_space<vmem>>
    %dma_wait3A_315 = arith.constant 0 : i32
    %dma_wait3A_316 = tpu.memref_slice %arg5[%dma_wait3A_311, %dma_wait3A_315] : memref<16x128xi32, #tpu.memory_space<vmem>> -> memref<1x128xi32, #tpu.memory_space<vmem>>
    %dma_wait3A_317 = tpu.memref_squeeze %dma_wait3A_316 : memref<1x128xi32, #tpu.memory_space<vmem>> -> memref<128xi32, #tpu.memory_space<vmem>>
    %dma_wait3A_318 = arith.constant 0 : i32
    %dma_wait3A_319 = arith.constant 0 : i32
    %dma_wait3A_320 = tpu.memref_slice %arg2[%dma_wait3A_318, %dma_wait3A_319] : memref<512x32xf32, #tpu.memory_space<hbm>> -> memref<512x32xf32, #tpu.memory_space<hbm>>
    tpu.wait_indirect_dma semaphore(%arg7 : memref<!tpu.dma_semaphore, #tpu.memory_space<semaphore_mem>>) src(%dma_wait3A_320 : memref<512x32xf32, #tpu.memory_space<hbm>>) dst(%dma_wait3A_314 : memref<128x32xf32, #tpu.memory_space<vmem>>)
    %dma_wait3A_321 = arith.constant 14 : i32
    %dma_wait3A_322 = arith.constant 1792 : i32
    %dma_wait3A_323 = arith.constant 0 : i32
    %dma_wait3A_324 = tpu.memref_slice %arg6[%dma_wait3A_322, %dma_wait3A_323] : memref<2048x32xf32, #tpu.memory_space<vmem>> -> memref<128x32xf32, #tpu.memory_space<vmem>>
    %dma_wait3A_325 = arith.constant 0 : i32
    %dma_wait3A_326 = tpu.memref_slice %arg5[%dma_wait3A_321, %dma_wait3A_325] : memref<16x128xi32, #tpu.memory_space<vmem>> -> memref<1x128xi32, #tpu.memory_space<vmem>>
    %dma_wait3A_327 = tpu.memref_squeeze %dma_wait3A_326 : memref<1x128xi32, #tpu.memory_space<vmem>> -> memref<128xi32, #tpu.memory_space<vmem>>
    %dma_wait3A_328 = arith.constant 0 : i32
    %dma_wait3A_329 = arith.constant 0 : i32
    %dma_wait3A_330 = tpu.memref_slice %arg2[%dma_wait3A_328, %dma_wait3A_329] : memref<512x32xf32, #tpu.memory_space<hbm>> -> memref<512x32xf32, #tpu.memory_space<hbm>>
    tpu.wait_indirect_dma semaphore(%arg7 : memref<!tpu.dma_semaphore, #tpu.memory_space<semaphore_mem>>) src(%dma_wait3A_330 : memref<512x32xf32, #tpu.memory_space<hbm>>) dst(%dma_wait3A_324 : memref<128x32xf32, #tpu.memory_space<vmem>>)
    %dma_wait3A_331 = arith.constant 15 : i32
    %dma_wait3A_332 = arith.constant 1920 : i32
    %dma_wait3A_333 = arith.constant 0 : i32
    %dma_wait3A_334 = tpu.memref_slice %arg6[%dma_wait3A_332, %dma_wait3A_333] : memref<2048x32xf32, #tpu.memory_space<vmem>> -> memref<128x32xf32, #tpu.memory_space<vmem>>
    %dma_wait3A_335 = arith.constant 0 : i32
    %dma_wait3A_336 = tpu.memref_slice %arg5[%dma_wait3A_331, %dma_wait3A_335] : memref<16x128xi32, #tpu.memory_space<vmem>> -> memref<1x128xi32, #tpu.memory_space<vmem>>
    %dma_wait3A_337 = tpu.memref_squeeze %dma_wait3A_336 : memref<1x128xi32, #tpu.memory_space<vmem>> -> memref<128xi32, #tpu.memory_space<vmem>>
    %dma_wait3A_338 = arith.constant 0 : i32
    %dma_wait3A_339 = arith.constant 0 : i32
    %dma_wait3A_340 = tpu.memref_slice %arg2[%dma_wait3A_338, %dma_wait3A_339] : memref<512x32xf32, #tpu.memory_space<hbm>> -> memref<512x32xf32, #tpu.memory_space<hbm>>
    tpu.wait_indirect_dma semaphore(%arg7 : memref<!tpu.dma_semaphore, #tpu.memory_space<semaphore_mem>>) src(%dma_wait3A_340 : memref<512x32xf32, #tpu.memory_space<hbm>>) dst(%dma_wait3A_334 : memref<128x32xf32, #tpu.memory_space<vmem>>)
    %mul3A_341 = arith.constant 2 : i32
    %mul3A_342 = arith.muli %add3A, %mul3A_341 : i32
    %add3A_343 = arith.constant 0 : i32
    %add3A_344 = arith.addi %add3A_343, %mul3A_342 : i32
    %add3A_345 = arith.constant 1 : i32
    %add3A_346 = arith.addi %add3A_344, %add3A_345 : i32
    %dma_start3A_347 = arith.constant 1024 : i32
    %dma_start3A_348 = arith.constant 0 : i32
    %dma_start3A_349 = tpu.memref_slice %arg6[%dma_start3A_347, %dma_start3A_348] : memref<2048x32xf32, #tpu.memory_space<vmem>> -> memref<1024x32xf32, #tpu.memory_space<vmem>>
    %dma_start3A_350 = arith.constant 0 : i32
    %dma_start3A_351 = arith.constant 0 : i32
    %dma_start3A_352 = tpu.memref_slice %arg4[%add3A_346, %dma_start3A_350, %dma_start3A_351] : memref<64x1024x32xf32, #tpu.memory_space<hbm>> -> memref<1x1024x32xf32, #tpu.memory_space<hbm>>
    %dma_start3A_353 = tpu.memref_squeeze %dma_start3A_352 : memref<1x1024x32xf32, #tpu.memory_space<hbm>> -> memref<1024x32xf32, #tpu.memory_space<hbm>>
    %dma_start3A_354 = arith.constant 0 : i32
    %dma_start3A_355 = arith.constant 0 : i32
    %dma_start3A_356 = tpu.memref_slice %arg4[%add3A_346, %dma_start3A_354, %dma_start3A_355] : memref<64x1024x32xf32, #tpu.memory_space<hbm>> -> memref<1x1024x32xf32, #tpu.memory_space<hbm>>
    %dma_start3A_357 = tpu.memref_squeeze %dma_start3A_356 : memref<1x1024x32xf32, #tpu.memory_space<hbm>> -> memref<1024x32xf32, #tpu.memory_space<hbm>>
    %dma_start3A_358 = arith.constant 1024 : i32
    %dma_start3A_359 = arith.constant 0 : i32
    %dma_start3A_360 = tpu.memref_slice %arg6[%dma_start3A_358, %dma_start3A_359] : memref<2048x32xf32, #tpu.memory_space<vmem>> -> memref<1024x32xf32, #tpu.memory_space<vmem>>
    tpu.enqueue_dma source(%dma_start3A_360 : memref<1024x32xf32, #tpu.memory_space<vmem>>) target(%dma_start3A_357 : memref<1024x32xf32, #tpu.memory_space<hbm>>) target_semaphore(%arg8 : memref<!tpu.dma_semaphore, #tpu.memory_space<semaphore_mem>>)
    %dma_wait3A_361 = arith.constant 0 : i32
    %dma_wait3A_362 = arith.constant 0 : i32
    %dma_wait3A_363 = tpu.memref_slice %arg6[%dma_wait3A_361, %dma_wait3A_362] : memref<2048x32xf32, #tpu.memory_space<vmem>> -> memref<1024x32xf32, #tpu.memory_space<vmem>>
    %dma_wait3A_364 = arith.constant 0 : i32
    %dma_wait3A_365 = arith.constant 0 : i32
    %dma_wait3A_366 = tpu.memref_slice %arg4[%add3A_246, %dma_wait3A_364, %dma_wait3A_365] : memref<64x1024x32xf32, #tpu.memory_space<hbm>> -> memref<1x1024x32xf32, #tpu.memory_space<hbm>>
    %dma_wait3A_367 = tpu.memref_squeeze %dma_wait3A_366 : memref<1x1024x32xf32, #tpu.memory_space<hbm>> -> memref<1024x32xf32, #tpu.memory_space<hbm>>
    %dma_wait3A_368 = arith.constant 0 : i32
    %dma_wait3A_369 = arith.constant 0 : i32
    %dma_wait3A_370 = tpu.memref_slice %arg4[%add3A_246, %dma_wait3A_368, %dma_wait3A_369] : memref<64x1024x32xf32, #tpu.memory_space<hbm>> -> memref<1x1024x32xf32, #tpu.memory_space<hbm>>
    %dma_wait3A_371 = tpu.memref_squeeze %dma_wait3A_370 : memref<1x1024x32xf32, #tpu.memory_space<hbm>> -> memref<1024x32xf32, #tpu.memory_space<hbm>>
    %dma_wait3A_372 = arith.constant 0 : i32
    %dma_wait3A_373 = arith.constant 0 : i32
    %dma_wait3A_374 = tpu.memref_slice %arg6[%dma_wait3A_372, %dma_wait3A_373] : memref<2048x32xf32, #tpu.memory_space<vmem>> -> memref<1024x32xf32, #tpu.memory_space<vmem>>
    tpu.wait_dma2 semaphore(%arg8 : memref<!tpu.dma_semaphore, #tpu.memory_space<semaphore_mem>>) src(%dma_wait3A_374 : memref<1024x32xf32, #tpu.memory_space<vmem>>) dst(%dma_wait3A_371 : memref<1024x32xf32, #tpu.memory_space<hbm>>)
    %dma_wait3A_375 = arith.constant 1024 : i32
    %dma_wait3A_376 = arith.constant 0 : i32
    %dma_wait3A_377 = tpu.memref_slice %arg6[%dma_wait3A_375, %dma_wait3A_376] : memref<2048x32xf32, #tpu.memory_space<vmem>> -> memref<1024x32xf32, #tpu.memory_space<vmem>>
    %dma_wait3A_378 = arith.constant 0 : i32
    %dma_wait3A_379 = arith.constant 0 : i32
    %dma_wait3A_380 = tpu.memref_slice %arg4[%add3A_346, %dma_wait3A_378, %dma_wait3A_379] : memref<64x1024x32xf32, #tpu.memory_space<hbm>> -> memref<1x1024x32xf32, #tpu.memory_space<hbm>>
    %dma_wait3A_381 = tpu.memref_squeeze %dma_wait3A_380 : memref<1x1024x32xf32, #tpu.memory_space<hbm>> -> memref<1024x32xf32, #tpu.memory_space<hbm>>
    %dma_wait3A_382 = arith.constant 0 : i32
    %dma_wait3A_383 = arith.constant 0 : i32
    %dma_wait3A_384 = tpu.memref_slice %arg4[%add3A_346, %dma_wait3A_382, %dma_wait3A_383] : memref<64x1024x32xf32, #tpu.memory_space<hbm>> -> memref<1x1024x32xf32, #tpu.memory_space<hbm>>
    %dma_wait3A_385 = tpu.memref_squeeze %dma_wait3A_384 : memref<1x1024x32xf32, #tpu.memory_space<hbm>> -> memref<1024x32xf32, #tpu.memory_space<hbm>>
    %dma_wait3A_386 = arith.constant 1024 : i32
    %dma_wait3A_387 = arith.constant 0 : i32
    %dma_wait3A_388 = tpu.memref_slice %arg6[%dma_wait3A_386, %dma_wait3A_387] : memref<2048x32xf32, #tpu.memory_space<vmem>> -> memref<1024x32xf32, #tpu.memory_space<vmem>>
    tpu.wait_dma2 semaphore(%arg8 : memref<!tpu.dma_semaphore, #tpu.memory_space<semaphore_mem>>) src(%dma_wait3A_388 : memref<1024x32xf32, #tpu.memory_space<vmem>>) dst(%dma_wait3A_385 : memref<1024x32xf32, #tpu.memory_space<hbm>>)
    return
  }
}

module attributes {stable_mosaic.version = 14 : i64} {
  func.func @_argmin_body(%arg0: i32, %arg1: memref<4096x32xf32, #tpu.memory_space<vmem>>, %arg2: memref<512x32xf32, #tpu.memory_space<vmem>>, %arg3: memref<1x512xf32, #tpu.memory_space<vmem>>, %arg4: memref<32x128xi32, #tpu.memory_space<vmem>>) attributes {dimension_semantics = [#tpu.dimension_semantics<arbitrary>], iteration_bounds = array<i64: 16>, scalar_prefetch = 0 : i64, scratch_operands = 0 : i64, tpu.core_type = #tpu.core_type<tc>, window_params = [{transform_indices = @transform_0, window_bounds = array<i64: 4096, 32>}, {pipeline_mode = #tpu.pipeline_mode<synchronous>, transform_indices = @transform_1, window_bounds = array<i64: 512, 32>}, {pipeline_mode = #tpu.pipeline_mode<synchronous>, transform_indices = @transform_2, window_bounds = array<i64: 1, 512>}, {transform_indices = @transform_3, window_bounds = array<i64: 32, 128>}]} {
    %get3A = arith.constant 0 : index
    %get3A_0 = arith.constant 0 : index
    %get3A_1 = vector.load %arg1[%get3A, %get3A_0] : memref<4096x32xf32, #tpu.memory_space<vmem>>, vector<4096x32xf32>
    %get3A_2 = arith.constant 0 : index
    %get3A_3 = arith.constant 0 : index
    %get3A_4 = vector.load %arg2[%get3A_2, %get3A_3] : memref<512x32xf32, #tpu.memory_space<vmem>>, vector<512x32xf32>
    %dot_general3A = arith.constant dense<0.000000e+00> : vector<4096x512xf32>
    %dot_general3A_5 = tpu.matmul %get3A_1, %get3A_4, %dot_general3A {dimension_numbers = #tpu.dot_dimension_numbers<[1], [1], [0], [0], [0, 0, 1, 0], [], []>, transpose_lhs_hint = false} : vector<4096x32xf32>, vector<512x32xf32>, vector<4096x512xf32> -> vector<4096x512xf32>
    %mul3A = arith.mulf %get3A_1, %get3A_1 : vector<4096x32xf32>
    %reduce_sum3A = arith.constant dense<0.000000e+00> : vector<4096xf32>
    %reduce_sum3A_6 = vector.multi_reduction <add>, %mul3A, %reduce_sum3A [1] : vector<4096x32xf32> to vector<4096xf32>
    %broadcast_in_dim3A = vector.shape_cast %reduce_sum3A_6 : vector<4096xf32> to vector<4096x1xf32>
    %get3A_7 = arith.constant 0 : index
    %get3A_8 = arith.constant 0 : index
    %get3A_9 = vector.load %arg3[%get3A_7, %get3A_8] : memref<1x512xf32, #tpu.memory_space<vmem>>, vector<1x512xf32>
    %slice3A = vector.extract_strided_slice %get3A_9 {offsets = [0, 0], sizes = [1, 128], strides = [1, 1]} : vector<1x512xf32> to vector<1x128xf32>
    %add3A = vector.broadcast %broadcast_in_dim3A : vector<4096x1xf32> to vector<4096x128xf32>
    %add3A_10 = vector.broadcast %slice3A : vector<1x128xf32> to vector<4096x128xf32>
    %add3A_11 = arith.addf %add3A, %add3A_10 : vector<4096x128xf32>
    %slice3A_12 = vector.extract_strided_slice %dot_general3A_5 {offsets = [0, 0], sizes = [4096, 128], strides = [1, 1]} : vector<4096x512xf32> to vector<4096x128xf32>
    %add3A_13 = arith.addf %add3A_11, %slice3A_12 : vector<4096x128xf32>
    %broadcast_in_dim3A_14 = arith.constant 0.000000e+00 : f32
    %broadcast_in_dim3A_15 = vector.broadcast %broadcast_in_dim3A_14 : f32 to vector<4096x128xf32>
    %slice3A_16 = vector.extract_strided_slice %get3A_9 {offsets = [0, 128], sizes = [1, 128], strides = [1, 1]} : vector<1x512xf32> to vector<1x128xf32>
    %add3A_17 = vector.broadcast %broadcast_in_dim3A : vector<4096x1xf32> to vector<4096x128xf32>
    %add3A_18 = vector.broadcast %slice3A_16 : vector<1x128xf32> to vector<4096x128xf32>
    %add3A_19 = arith.addf %add3A_17, %add3A_18 : vector<4096x128xf32>
    %slice3A_20 = vector.extract_strided_slice %dot_general3A_5 {offsets = [0, 128], sizes = [4096, 128], strides = [1, 1]} : vector<4096x512xf32> to vector<4096x128xf32>
    %add3A_21 = arith.addf %add3A_19, %slice3A_20 : vector<4096x128xf32>
    %lt3A = arith.cmpf olt, %add3A_21, %add3A_13 : vector<4096x128xf32>
    %min3A = arith.minimumf %add3A_13, %add3A_21 : vector<4096x128xf32>
    %jit3A = arith.constant 1.280000e+02 : f32
    %broadcast_in_dim3A_22 = vector.broadcast %jit3A : f32 to vector<4096x128xf32>
    %select_n3A = arith.select %lt3A, %broadcast_in_dim3A_22, %broadcast_in_dim3A_15 : vector<4096x128xi1>, vector<4096x128xf32>
    %slice3A_23 = vector.extract_strided_slice %get3A_9 {offsets = [0, 256], sizes = [1, 128], strides = [1, 1]} : vector<1x512xf32> to vector<1x128xf32>
    %add3A_24 = vector.broadcast %broadcast_in_dim3A : vector<4096x1xf32> to vector<4096x128xf32>
    %add3A_25 = vector.broadcast %slice3A_23 : vector<1x128xf32> to vector<4096x128xf32>
    %add3A_26 = arith.addf %add3A_24, %add3A_25 : vector<4096x128xf32>
    %slice3A_27 = vector.extract_strided_slice %dot_general3A_5 {offsets = [0, 256], sizes = [4096, 128], strides = [1, 1]} : vector<4096x512xf32> to vector<4096x128xf32>
    %add3A_28 = arith.addf %add3A_26, %slice3A_27 : vector<4096x128xf32>
    %lt3A_29 = arith.cmpf olt, %add3A_28, %min3A : vector<4096x128xf32>
    %min3A_30 = arith.minimumf %min3A, %add3A_28 : vector<4096x128xf32>
    %jit3A_31 = arith.constant 2.560000e+02 : f32
    %broadcast_in_dim3A_32 = vector.broadcast %jit3A_31 : f32 to vector<4096x128xf32>
    %select_n3A_33 = arith.select %lt3A_29, %broadcast_in_dim3A_32, %select_n3A : vector<4096x128xi1>, vector<4096x128xf32>
    %slice3A_34 = vector.extract_strided_slice %get3A_9 {offsets = [0, 384], sizes = [1, 128], strides = [1, 1]} : vector<1x512xf32> to vector<1x128xf32>
    %add3A_35 = vector.broadcast %broadcast_in_dim3A : vector<4096x1xf32> to vector<4096x128xf32>
    %add3A_36 = vector.broadcast %slice3A_34 : vector<1x128xf32> to vector<4096x128xf32>
    %add3A_37 = arith.addf %add3A_35, %add3A_36 : vector<4096x128xf32>
    %slice3A_38 = vector.extract_strided_slice %dot_general3A_5 {offsets = [0, 384], sizes = [4096, 128], strides = [1, 1]} : vector<4096x512xf32> to vector<4096x128xf32>
    %add3A_39 = arith.addf %add3A_37, %slice3A_38 : vector<4096x128xf32>
    %lt3A_40 = arith.cmpf olt, %add3A_39, %min3A_30 : vector<4096x128xf32>
    %min3A_41 = arith.minimumf %min3A_30, %add3A_39 : vector<4096x128xf32>
    %jit3A_42 = arith.constant 3.840000e+02 : f32
    %broadcast_in_dim3A_43 = vector.broadcast %jit3A_42 : f32 to vector<4096x128xf32>
    %select_n3A_44 = arith.select %lt3A_40, %broadcast_in_dim3A_43, %select_n3A_33 : vector<4096x128xi1>, vector<4096x128xf32>
    %reduce_min3A = arith.constant dense<0x7F800000> : vector<4096xf32>
    %reduce_min3A_45 = vector.multi_reduction <minimumf>, %min3A_41, %reduce_min3A [1] : vector<4096x128xf32> to vector<4096xf32>
    %broadcast_in_dim3A_46 = vector.shape_cast %reduce_min3A_45 : vector<4096xf32> to vector<4096x1xf32>
    %max3A = arith.constant 0.000000e+00 : f32
    %max3A_47 = vector.broadcast %max3A : f32 to vector<4096x1xf32>
    %max3A_48 = arith.maximumf %broadcast_in_dim3A_46, %max3A_47 : vector<4096x1xf32>
    %iota3A = tpu.iota {dimensions = array<i32: 1>} : vector<4096x128xi32>
    %convert_element_type3A = arith.sitofp %iota3A : vector<4096x128xi32> to vector<4096x128xf32>
    %add3A_49 = arith.addf %select_n3A_44, %convert_element_type3A : vector<4096x128xf32>
    %le3A = vector.broadcast %max3A_48 : vector<4096x1xf32> to vector<4096x128xf32>
    %le3A_50 = arith.cmpf ole, %min3A_41, %le3A : vector<4096x128xf32>
    %jit3A_51 = arith.constant 5.120000e+02 : f32
    %broadcast_in_dim3A_52 = vector.broadcast %jit3A_51 : f32 to vector<4096x128xf32>
    %select_n3A_53 = arith.select %le3A_50, %add3A_49, %broadcast_in_dim3A_52 : vector<4096x128xi1>, vector<4096x128xf32>
    %reduce_min3A_54 = arith.constant dense<0x7F800000> : vector<4096xf32>
    %reduce_min3A_55 = vector.multi_reduction <minimumf>, %select_n3A_53, %reduce_min3A_54 [1] : vector<4096x128xf32> to vector<4096xf32>
    %broadcast_in_dim3A_56 = vector.shape_cast %reduce_min3A_55 : vector<4096xf32> to vector<4096x1xf32>
    %convert_element_type3A_57 = arith.fptosi %broadcast_in_dim3A_56 : vector<4096x1xf32> to vector<4096x1xi32>
    %reshape3A = vector.shape_cast %convert_element_type3A_57 : vector<4096x1xi32> to vector<32x128xi32>
    %swap3A = arith.constant 0 : index
    %swap3A_58 = arith.constant 0 : index
    %swap3A_59 = vector.load %arg4[%swap3A, %swap3A_58] : memref<32x128xi32, #tpu.memory_space<vmem>>, vector<32x128xi32>
    tpu.vector_store %arg4[%swap3A, %swap3A_58], %reshape3A {strides = array<i32>} : memref<32x128xi32, #tpu.memory_space<vmem>>, vector<32x128xi32>,
    return
  }
  func.func @transform_0(%arg0: i32) -> (i32, i32) {
    %add3A = arith.constant 0 : i32
    %add3A_0 = arith.addi %arg0, %add3A : i32
    %c0_i32 = arith.constant 0 : i32
    %c0_i32_1 = arith.constant 0 : i32
    return %add3A_0, %c0_i32 : i32, i32
  }
  func.func @transform_1(%arg0: i32) -> (i32, i32) {
    %c0_i32 = arith.constant 0 : i32
    %c0_i32_0 = arith.constant 0 : i32
    %c0_i32_1 = arith.constant 0 : i32
    return %c0_i32, %c0_i32_0 : i32, i32
  }
  func.func @transform_2(%arg0: i32) -> (i32, i32) {
    %c0_i32 = arith.constant 0 : i32
    %c0_i32_0 = arith.constant 0 : i32
    %c0_i32_1 = arith.constant 0 : i32
    return %c0_i32, %c0_i32_0 : i32, i32
  }
  func.func @transform_3(%arg0: i32) -> (i32, i32) {
    %c0_i32 = arith.constant 0 : i32
    %c0_i32_0 = arith.constant 0 : i32
    return %arg0, %c0_i32 : i32, i32
  }
}

</mosaic_0001>

<sc_bundles>
// kernel: kernel.4.cloned.1.call-start
scs
__scs_entry_jumppad:
0x0: {  	(pc) =	sbr.rel $0x88, $3  }
0x1: {  	(tag) =	ssettag $0x0;
	lr =	simm.s32 $0x1  }
0x2: {  	[smem:$0x3F9F] =	sst lr;
	_ =	strace $0xD0000000  }
0x3: {  	_ = 	snop  }
0x4: {  	_ = 	snop  }
0x5: {  	_ = 	snop  }
0x6: {  	_ = 	snop  }
0x7: {  	_ = 	snop  }
__scs_overlays_trampoline_lowered:
0x8: {  	[smem:$0x3FAE] =	sst s0  }
0x9: {  	[smem:$0x3FAF] =	sst s1  }
0xa: {  	[smem:$0x3FB0] =	sst s2  }
0xb: {  	[smem:$0x3FB1] =	sst s3  }
0xc: {  	[smem:$0x3FB2] =	sst s4  }
0xd: {  	[smem:$0x3FB3] =	sst s5  }
0xe: {  	[smem:$0x3FB4] =	sst s6  }
0xf: {  	[smem:$0x3FB5] =	sst s7  }
0x10: {  	[smem:$0x3FB6] =	sst s8  }
0x11: {  	[smem:$0x3FB7] =	sst s9;
	s0 =	simm.s32 @!p0 $0x0  }
0x12: {  	s1 =	sld [smem:$0x3F9D];
	s0 =	simm.s32 @p0 $0x1  }
0x13: {  	[smem:$0x3FB8] =	sst s0;
	s0 =	simm.s32 @!p1 $0x0  }
0x14: {  	s2 =	sld [smem:$0x3F9C];
	s0 =	simm.s32 @p1 $0x1  }
0x15: {  	[smem:$0x3FB9] =	sst s0;
	s0 =	simm.s32 @!p2 $0x0  }
0x16: {  	s3 =	sld [smem:$0x3FDB];
	s0 =	simm.s32 @p2 $0x1  }
0x17: {  	s4 =	simm.s32 $0x1BF5;
	[smem:$0x3FBB] =	sst s0  }
0x18: {  	s0 =	sld [smem:$0x3F9E];
	_ =	swait.ge [sflag:s4], $0x0  }
0x19: {  	s7 =	sld [smem:$0x3F9F]  }
0x1a: {  	s8 =	sadd.s32 $0xFFFFE003, lr  }
0x1b: {  	s9 =	sadd.s32 $0xFFFFFEF7, lr;
	s5 =	simm.s32 $0xFFFFFFFF;
	p2 =	slt.u32 s8, $0xFFFFF086  }
0x1c: {  	p1 =	slt.u32 s9, $0xF7A;
	s5 =	simm.s32 @!p2 $0x0  }
0x1d: {  	s5 =	simm.s32 @p1 $0x1;
	p0 =	seq.s32 s7, s2  }
0x1e: {  	s7 =	smul.u32 @!p0 $0xF7A, s2;
	p2 =	seq.s32 @!p0 s5, $0x0  }
0x1f: {  	s9 =	smul.u32 $0xF7A, s1;
	s8 =	simm.s32 @!p0 $0x1BF5;
	p2 =	por !p2, p0  }
0x20: {  	[sflag:s8] =	ssyncset.s32 @!p0 $0xFFFFF086;
	s6 =	sadd.s32 @!p0 s3, s7;
	s7 =	simm.s32 @!p0 $0x108  }
0x21: {  	s3 =	sadd.s32 s3, s9;
	s6 =	sadd.s32 @!p0 $0x88, s6;
	s7 =	simm.s32 @p2 $0x1082  }
0x22: {  	[simem:s7], [sflag:s8] =	dma.local @!p0 [hbm:s6], $0xF7A  }
0x23: {  	s9 =	sor.u32 $0xD0000000, s2;
	s6 =	simm.s32 $0x108;
	_ =	swait.ge @!p0 [sflag:s8], $0x0  }
0x24: {  	s3 =	sadd.s32 $0x88, s3;
	s6 =	simm.s32 @!p1 $0x1082;
	[sflag:s4] =	ssyncset.s32 $0xFFFFF086  }
0x25: {  	[simem:s6], [sflag:s4] =	dma.local [hbm:s3], $0xF7A  }
0x26: {  	[smem:$0x3F9F] =	sst s1;
	(tag) =	ssettag s2;
	_ =	strace s9  }
0x27: {  	s1 =	sld [smem:$0x3FAF]  }
0x28: {  	s2 =	sld [smem:$0x3FB0]  }
0x29: {  	s4 =	sld [smem:$0x3FB2]  }
0x2a: {  	p0 =	seq.s32 s5, $0x0;
	s5 =	sld [smem:$0x3FB3]  }
0x2b: {  	s6 =	sld [smem:$0x3FB4]  }
0x2c: {  	s7 =	sld [smem:$0x3FB5]  }
0x2d: {  	s3 =	simm.s32 $0x108;
	s8 =	sld [smem:$0x3FB6]  }
0x2e: {  	s3 =	simm.s32 @!p0 $0x1082;
	s9 =	sld [smem:$0x3FB7]  }
0x2f: {  	lr =	sadd.s32 s0, s3;
	s0 =	sld [smem:$0x3FAE]  }
0x30: {  	s3 =	sld [smem:$0x3FB1]  }
0x31: {  	[smem:$0x3FBA] =	sst s10  }
0x32: {  	s10 =	sld [smem:$0x3FB8];
	_ =	sdelay $0x3  }
0x33: {  	p0 =	seq.s32 s10, $0x1;
	s10 =	sld [smem:$0x3FBA];
	_ =	sdelay $0x3  }
0x34: {  	[smem:$0x3FBA] =	sst s10  }
0x35: {  	s10 =	sld [smem:$0x3FB9];
	_ =	sdelay $0x3  }
0x36: {  	p1 =	seq.s32 s10, $0x1;
	s10 =	sld [smem:$0x3FBA];
	_ =	sdelay $0x3  }
0x37: {  	[smem:$0x3FBA] =	sst s10  }
0x38: {  	s10 =	sld [smem:$0x3FBB]  }
0x39: {  	_ = 	snop;
	(pc) =	sbr.ind lr, $3  }
0x3a: {  	_ = 	snop  }
0x3b: {  	_ = 	snop  }
0x3c: {  	p2 =	seq.s32 s10, $0x1;
	s10 =	sld [smem:$0x3FBA]  }
0x3d: {  	_ =	shalt  }
0x3e: {  	_ =	shalt  }
0x3f: {  	_ =	shalt  }
0x40: {  	_ =	shalt  }
0x41: {  	_ =	shalt  }
0x42: {  	_ =	shalt  }
0x43: {  	_ =	shalt  }
0x44: {  	_ =	shalt  }
0x45: {  	_ =	shalt  }
0x46: {  	_ =	shalt  }
0x47: {  	_ =	shalt  }
0x48: {  	_ =	shalt  }
0x49: {  	_ =	shalt  }
0x4a: {  	_ =	shalt  }
0x4b: {  	_ =	shalt  }
0x4c: {  	_ =	shalt  }
0x4d: {  	_ =	shalt  }
0x4e: {  	_ =	shalt  }
0x4f: {  	_ =	shalt  }
0x50: {  	_ =	shalt  }
0x51: {  	_ =	shalt  }
0x52: {  	_ =	shalt  }
0x53: {  	_ =	shalt  }
0x54: {  	_ =	shalt  }
0x55: {  	_ =	shalt  }
0x56: {  	_ =	shalt  }
0x57: {  	_ =	shalt  }
0x58: {  	_ =	shalt  }
0x59: {  	_ =	shalt  }
0x5a: {  	_ =	shalt  }
0x5b: {  	_ =	shalt  }
0x5c: {  	_ =	shalt  }
0x5d: {  	_ =	shalt  }
0x5e: {  	_ =	shalt  }
0x5f: {  	_ =	shalt  }
0x60: {  	_ =	shalt  }
0x61: {  	_ =	shalt  }
0x62: {  	_ =	shalt  }
0x63: {  	_ =	shalt  }
0x64: {  	_ =	shalt  }
0x65: {  	_ =	shalt  }
0x66: {  	_ =	shalt  }
0x67: {  	_ =	shalt  }
0x68: {  	_ =	shalt  }
0x69: {  	_ =	shalt  }
0x6a: {  	_ =	shalt  }
0x6b: {  	_ =	shalt  }
0x6c: {  	_ =	shalt  }
0x6d: {  	_ =	shalt  }
0x6e: {  	_ =	shalt  }
0x6f: {  	_ =	shalt  }
0x70: {  	_ =	shalt  }
0x71: {  	_ =	shalt  }
0x72: {  	_ =	shalt  }
0x73: {  	_ =	shalt  }
0x74: {  	_ =	shalt  }
0x75: {  	_ =	shalt  }
0x76: {  	_ =	shalt  }
0x77: {  	_ =	shalt  }
0x78: {  	_ =	shalt  }
0x79: {  	_ =	shalt  }
0x7a: {  	_ =	shalt  }
0x7b: {  	_ =	shalt  }
0x7c: {  	_ =	shalt  }
0x7d: {  	_ =	shalt  }
0x7e: {  	_ =	shalt  }
0x7f: {  	_ =	shalt  }
0x80: {  	_ =	shalt  }
0x81: {  	_ =	shalt  }
0x82: {  	_ =	shalt  }
0x83: {  	_ =	shalt  }
0x84: {  	_ =	shalt  }
0x85: {  	_ =	shalt  }
0x86: {  	_ =	shalt  }
0x87: {  	_ =	shalt  }
.Lfunc_end0:
.L_simem_size_0:
called_computation_lowered:
.L_overlay_start_0:
0x88: {  	s2 =	sld [smem:$0x3FD9]  }
0x89: {  	s3 =	sld [smem:$0x3FFE];
	_ =	sdelay $0x1  }
0x8a: {  	s1 =	srdreg.scid  }
0x8b: {  	s0 =	sand.u32 $0x1, s1  }
0x8c: {  	s17 =	sshll.u32 s0, $0xA;
	s2 =	sadd.s32 s3, s2  }
0x8d: {  	s2 =	sadd.s32 s2, s17  }
0x8e: {  	[smem:$0x3FC6] =	sst s2  }
0x8f: {  	_ = 	snop  }
0x90: {  	s2 =	sld [smem:$0x3FD0];
	(tm) =	ssettm $0x1  }
0x91: {  	s18 =	sld [smem:$0x3FFB];
	_ =	sdelay $0x3  }
0x92: {  	_ =	strace s18  }
0x93: {  	s3 =	sld [smem:$0x3FFC];
	_ =	sdelay $0x3  }
0x94: {  	_ =	strace s3  }
0x95: {  	s3 =	sld [smem:$0x3FFD];
	_ =	sdelay $0x3  }
0x96: {  	_ =	strace s3  }
0x97: {  	_ =	strace $0x8FFFFFFF  }
0x98: {  	s19 =	sld [smem:$0x3FDB];
	_ =	sdelay $0x1  }
0x99: {  	s4 =	simm.s32 $_scs_section_size  }
0x9a: {  	s5 =	simm.s32 $_size__tile_overlayer_lowered;
	s6 =	simm.s32 $_tile_overlayer_lowered  }
0x9b: {  	s22 =	simm.s32 $0x1BFF;
	s21 =	sshll.u32 s6, $0x1;
	s3 =	sadd.s32 s4, s19  }
0x9c: {  	s7 =	simm.s32 $0x0;
	s20 =	sshll.u32 s5, $0x1;
	s5 =	sadd.s32 s21, s3  }
0x9d: {  	[timem:s7], [sflag:s22] =	dma.local [hbm:s5], s20  }
0x9e: {  	_ =	swait.ge [sflag:s22], s20  }
0x9f: {  	s4 =	ssub.s32 $0x0, s20;
	[sflag:s22] =	ssyncset.done $0x0  }
0xa0: {  	[sflag:s22] =	ssyncadd.s32 s4;
	_ =	sdelay $0x1  }
0xa1: {  	s23 =	simm.s32 $0x1B8B  }
0xa2: {  	_ =	swait.ge [sflag:s23], $0x1  }
0xa3: {  	[sflag:s23] =	ssyncset.done $0x0  }
0xa4: {  	s25 =	simm.s32 $0x1B8E;
	s24 =	sld [smem:$0x3FFE];
	[sflag:s23] =	ssyncadd.s32 $0xFFFFFFFF  }
0xa5: {  	s26 =	simm.s32 $execute0_lowered;
	[smem:$0x3FD2] =	sst s25  }
0xa6: {  	s5 =	sshll.u32 s26, $0x1;
	_ =	strace $0x80000046;
	[dreg:$0x1] =	wrdreg $0xFFFFFFFF  }
0xa7: {  	s28 =	simm.s32 $_size_execute0_lowered;
	s3 =	sadd.s32 s3, s5;
	[dreg:$0x0] =	wrdreg $0x0  }
0xa8: {  	s5 =	sshll.u32 s28, $0x1;
	[dreg:$0x2] =	wrdreg s3  }
0xa9: {  	[dreg:$0x3] =	wrdreg s5  }
0xaa: {  	[dreg:$0x4] =	wrdreg $0xC0  }
0xab: {  	_ =	task [dreg:s7], $0x5FFFF  }
0xac: {  	[dreg:$0x1] =	wrdreg $0xFFFFFFFF  }
0xad: {  	[dreg:$0x0] =	wrdreg $0x60  }
0xae: {  	[dreg:$0x2] =	wrdreg s24  }
0xaf: {  	[dreg:$0x3] =	wrdreg s2  }
0xb0: {  	[dreg:$0x4] =	wrdreg $0x9  }
0xb1: {  	_ =	task.clear_ibuf [dreg:s7], $0x5FFFF;
	_ =	strace $0x90000046  }
0xb2: {  	s29 =	simm.s32 $0x9;
	_ =	strace $0x80000048  }
0xb3: {  	_ =	swait.ge [sflag:s29], $0x1  }
0xb4: {  	[sflag:s29] =	ssyncadd.s32 $0xFFFFFFFF  }
0xb5: {  	_ =	strace $0x90000048  }
0xb6: {  	_ =	sfence  }
0xb7: {  	s30 =	sld [smem:$0x0];
	_ =	sdelay $0x2  }
0xb8: {  	s31 =	sshll.u32 s1, $0xD;
	s1 =	sshrl.u32 s1, $0x2  }
0xb9: {  	s3 =	sand.u32 $0x4000, s31;
	s1 =	sadd.s32 s1, s30  }
0xba: {  	s0 =	sor.u32 s3, s0;
	s1 =	sshll.u32 s1, $0x11  }
0xbb: {  	s0 =	sor.u32 s1, s0  }
0xbc: {  	s0 =	sadd.s32 $0x8F2B, s0  }
0xbd: {  	[sflag:s0] =	ssyncadd.remote.s32 $0x1  }
0xbe: {  	_ =	sfence.sel $0xFFFF  }
0xbf: {  	[dreg:$0x0] =	wrdreg $0xFFFFFFFF;
	(pc) =	sbr.abs _section_cstart, $3  }
0xc0: {  	[dreg:$0x1] =	wrdreg $0xFFFFFFFF  }
0xc1: {  	_ =	task.clear_ibuf [dreg:s7], $0x2FFFF;
	_ =	strace $0x9FFFFFFF  }
0xc2: {  	(tm) =	ssettm $0x7FFFFFFF  }
0xc3: {  	_ =	shalt  }
tec
execute0_lowered:
.L_overlay_start_1:
0x0: {  	(tag) =	ssettag $0x1  }
0x1: {  	s1 =	srdreg.scid;
	s0 =	stileid.u32  }
0x2: {  	s5 =	rddreg [dreg:$0x0];
	s1 =	sand.u32 $0x1, s1;
	s2 =	sshll.u32 s0, $0x1  }
0x3: {  	s3 =	rddreg [dreg:$0x1];
	s4 =	sor.u32 s1, s2;
	s2 =	simm.s32 $0x0  }
0x4: {  	s14 =	simm.s32 $0x1800;
	[smem:$0x7FF] =	sst s2  }
0x5: {  	s15 =	simm.s32 $0x100;
	_ =	strace $0x80000047;
	[dreg:$0x5] =	wrdreg s14  }
0x6: {  	s16 =	simm.s32 $0x2800;
	[dreg:$0x6] =	wrdreg s15  }
0x7: {  	s17 =	simm.s32 $0x180;
	[dreg:$0x7] =	wrdreg s16  }
0x8: {  	s18 =	simm.s32 $0x3800;
	[dreg:$0x8] =	wrdreg s17  }
0x9: {  	s19 =	simm.s32 $0x200;
	s20 =	simm.s32 $0x4800;
	[dreg:$0x9] =	wrdreg s18  }
0xa: {  	s7 =	simm.s32 $0x280;
	s6 =	sshll.u32 s4, $0x8;
	[dreg:$0xa] =	wrdreg s19  }
0xb: {  	s4 =	sshll.u32 s4, $0xD;
	s6 =	sadd.s32 s6, s5;
	[dreg:$0xb] =	wrdreg s20  }
0xc: {  	s3 =	sadd.s32 s3, s4;
	[dreg:$0xc] =	wrdreg s7;
	s6 =	sadd.s32 $0xA00, s6  }
0xd: {  	s4 =	sadd.s32 $0x1000, s3;
	[dreg:$0x3] =	wrdreg s6  }
0xe: {  	[dreg:$0x4] =	wrdreg s4  }
0xf: {  	s4 =	simm.s32 $0x3;
	s6 =	rddreg [dreg:$0x3]  }
0x10: {  	[tilespmem:s2], [sflag:$0x3] =	stream.linear.gather [hbm4b:s6+s2], $0x800, $0x38;
	[tilespmem:$0x10800] =	vst v63  }
0x11: {  	_ =	swait.ge [sflag:s4], $0x800  }
0x12: {  	s5 =	sadd.s32 $0x200, s5;
	s8 =	rddreg [dreg:$0xb]  }
0x13: {  	s7 =	simm.s32 $0x800;
	s9 =	rddreg [dreg:$0x6];
	[sflag:s4] =	ssyncset.done $0x0  }
0x14: {  	s6 =	simm.s32 $0x80;
	s10 =	rddreg [dreg:$0x5];
	[sflag:s4] =	ssyncadd.s32 $0xFFFFF800  }
0x15: {  	[tilespmem:s7], [sflag:$0x1] =	stream.indirect.gather [hbm4b:s5+s6], $0x20, s2, s6, $0xb8;
	[tilespmem:$0x10800] =	vst v63  }
0x16: {  	s11 =	rddreg [dreg:$0x7]  }
0x17: {  	[tilespmem:s10], [sflag:$0x1] =	stream.indirect.gather [hbm4b:s5+s6], $0x20, s6, s6, $0xb8;
	[tilespmem:$0x10800] =	vst v63  }
0x18: {  	s12 =	rddreg [dreg:$0x9]  }
0x19: {  	[tilespmem:s11], [sflag:$0x1] =	stream.indirect.gather [hbm4b:s5+s6], $0x20, s9, s6, $0xb8;
	[tilespmem:$0x10800] =	vst v63  }
0x1a: {  	s21 =	rddreg [dreg:$0x8]  }
0x1b: {  	[tilespmem:s12], [sflag:$0x1] =	stream.indirect.gather [hbm4b:s5+s6], $0x20, s21, s6, $0xb8;
	[tilespmem:$0x10800] =	vst v63  }
0x1c: {  	s22 =	rddreg [dreg:$0xa]  }
0x1d: {  	[tilespmem:s8], [sflag:$0x1] =	stream.indirect.gather [hbm4b:s5+s6], $0x20, s22, s6, $0xb8;
	[tilespmem:$0x10800] =	vst v63  }
0x1e: {  	s24 =	simm.s32 $0x5800;
	s23 =	rddreg [dreg:$0xc]  }
0x1f: {  	[tilespmem:s24], [sflag:$0x1] =	stream.indirect.gather [hbm4b:s5+s6], $0x20, s23, s6, $0xb8;
	[tilespmem:$0x10800] =	vst v63  }
0x20: {  	s25 =	simm.s32 $0x300;
	s26 =	simm.s32 $0x6800  }
0x21: {  	[tilespmem:s26], [sflag:$0x1] =	stream.indirect.gather [hbm4b:s5+s6], $0x20, s25, s6, $0xb8;
	[tilespmem:$0x10800] =	vst v63  }
0x22: {  	s10 =	simm.s32 $0x7800;
	s9 =	simm.s32 $0x380  }
0x23: {  	[tilespmem:s10], [sflag:$0x1] =	stream.indirect.gather [hbm4b:s5+s6], $0x20, s9, s6, $0xb8;
	[tilespmem:$0x10800] =	vst v63  }
0x24: {  	s13 =	simm.s32 $0x400;
	s14 =	simm.s32 $0x8800  }
0x25: {  	[tilespmem:s14], [sflag:$0x1] =	stream.indirect.gather [hbm4b:s5+s6], $0x20, s13, s6, $0xb8;
	[tilespmem:$0x10800] =	vst v63  }
0x26: {  	s15 =	simm.s32 $0x480;
	s16 =	simm.s32 $0x9800  }
0x27: {  	[tilespmem:s16], [sflag:$0x1] =	stream.indirect.gather [hbm4b:s5+s6], $0x20, s15, s6, $0xb8;
	[tilespmem:$0x10800] =	vst v63  }
0x28: {  	s17 =	simm.s32 $0x500;
	s18 =	simm.s32 $0xA800  }
0x29: {  	[tilespmem:s18], [sflag:$0x1] =	stream.indirect.gather [hbm4b:s5+s6], $0x20, s17, s6, $0xb8;
	[tilespmem:$0x10800] =	vst v63  }
0x2a: {  	s19 =	simm.s32 $0x580;
	s20 =	simm.s32 $0xB800  }
0x2b: {  	[tilespmem:s20], [sflag:$0x1] =	stream.indirect.gather [hbm4b:s5+s6], $0x20, s19, s6, $0xb8;
	[tilespmem:$0x10800] =	vst v63  }
0x2c: {  	s21 =	simm.s32 $0x600;
	s22 =	simm.s32 $0xC800  }
0x2d: {  	[tilespmem:s22], [sflag:$0x1] =	stream.indirect.gather [hbm4b:s5+s6], $0x20, s21, s6, $0xb8;
	[tilespmem:$0x10800] =	vst v63  }
0x2e: {  	s23 =	simm.s32 $0x680;
	s24 =	simm.s32 $0xD800  }
0x2f: {  	[tilespmem:s24], [sflag:$0x1] =	stream.indirect.gather [hbm4b:s5+s6], $0x20, s23, s6, $0xb8;
	[tilespmem:$0x10800] =	vst v63  }
0x30: {  	s25 =	simm.s32 $0x700;
	s26 =	simm.s32 $0xE800  }
0x31: {  	[tilespmem:s26], [sflag:$0x1] =	stream.indirect.gather [hbm4b:s5+s6], $0x20, s25, s6, $0xb8;
	[tilespmem:$0x10800] =	vst v63  }
0x32: {  	s28 =	simm.s32 $0x780;
	s29 =	simm.s32 $0xF800;
	s30 =	simm.s32 $0x1  }
0x33: {  	[tilespmem:s29], [sflag:$0x1] =	stream.indirect.gather [hbm4b:s5+s6], $0x20, s28, s6, $0xb8;
	[tilespmem:$0x10800] =	vst v63  }
0x34: {  	_ =	swait.ge [sflag:s30], $0x1000  }
0x35: {  	[sflag:s30] =	ssyncset.done $0x0  }
0x36: {  	[sflag:s30] =	ssyncadd.s32 $0xFFFFF000  }
0x37: {  	_ =	swait.ge [sflag:s30], $0x1000  }
0x38: {  	[sflag:s30] =	ssyncset.done $0x0  }
0x39: {  	[sflag:s30] =	ssyncadd.s32 $0xFFFFF000  }
0x3a: {  	_ =	swait.ge [sflag:s30], $0x1000  }
0x3b: {  	[sflag:s30] =	ssyncset.done $0x0  }
0x3c: {  	[sflag:s30] =	ssyncadd.s32 $0xFFFFF000  }
0x3d: {  	_ =	swait.ge [sflag:s30], $0x1000  }
0x3e: {  	[sflag:s30] =	ssyncset.done $0x0  }
0x3f: {  	[sflag:s30] =	ssyncadd.s32 $0xFFFFF000  }
0x40: {  	_ =	swait.ge [sflag:s30], $0x1000  }
0x41: {  	[sflag:s30] =	ssyncset.done $0x0  }
0x42: {  	[sflag:s30] =	ssyncadd.s32 $0xFFFFF000  }
0x43: {  	_ =	swait.ge [sflag:s30], $0x1000  }
0x44: {  	[sflag:s30] =	ssyncset.done $0x0  }
0x45: {  	[sflag:s30] =	ssyncadd.s32 $0xFFFFF000  }
0x46: {  	_ =	swait.ge [sflag:s30], $0x1000  }
0x47: {  	[sflag:s30] =	ssyncset.done $0x0  }
0x48: {  	[sflag:s30] =	ssyncadd.s32 $0xFFFFF000  }
0x49: {  	_ =	swait.ge [sflag:s30], $0x1000  }
0x4a: {  	[sflag:s30] =	ssyncset.done $0x0  }
0x4b: {  	[sflag:s30] =	ssyncadd.s32 $0xFFFFF000  }
0x4c: {  	[hbm4b:s3+s2] =	stream.linear.scatter [tilespmem:s7], [sflag:$0x2], $0x8000, $0x38;
	[tilespmem:$0x10800] =	vst v63  }
0x4d: {  	_ =	swait.ge [sflag:s30], $0x1000  }
0x4e: {  	[sflag:s30] =	ssyncset.done $0x0  }
0x4f: {  	[sflag:s30] =	ssyncadd.s32 $0xFFFFF000  }
0x50: {  	_ =	swait.ge [sflag:s30], $0x1000  }
0x51: {  	[sflag:s30] =	ssyncset.done $0x0  }
0x52: {  	[sflag:s30] =	ssyncadd.s32 $0xFFFFF000  }
0x53: {  	_ =	swait.ge [sflag:s30], $0x1000  }
0x54: {  	[sflag:s30] =	ssyncset.done $0x0  }
0x55: {  	[sflag:s30] =	ssyncadd.s32 $0xFFFFF000  }
0x56: {  	_ =	swait.ge [sflag:s30], $0x1000  }
0x57: {  	[sflag:s30] =	ssyncset.done $0x0  }
0x58: {  	[sflag:s30] =	ssyncadd.s32 $0xFFFFF000  }
0x59: {  	_ =	swait.ge [sflag:s30], $0x1000  }
0x5a: {  	[sflag:s30] =	ssyncset.done $0x0  }
0x5b: {  	[sflag:s30] =	ssyncadd.s32 $0xFFFFF000  }
0x5c: {  	_ =	swait.ge [sflag:s30], $0x1000  }
0x5d: {  	[sflag:s30] =	ssyncset.done $0x0  }
0x5e: {  	[sflag:s30] =	ssyncadd.s32 $0xFFFFF000  }
0x5f: {  	s1 =	ssub.s32 $0x2, s1;
	_ =	swait.ge [sflag:s30], $0x1000  }
0x60: {  	s11 =	sshrl.u32 s1, $0x1;
	[sflag:s30] =	ssyncset.done $0x0  }
0x61: {  	s0 =	ssub.s32 s1, s11;
	[sflag:s30] =	ssyncadd.s32 $0xFFFFF000  }
0x62: {  	s0 =	smax.u32 s0, $0x1;
	_ =	swait.ge [sflag:s30], $0x1000  }
0x63: {  	p0 =	sne.s32 s0, $0x1;
	[sflag:s30] =	ssyncset.done $0x0  }
.Ltmp0:
0x64: {  	s31 =	rddreg [dreg:$0x4];
	[sflag:s30] =	ssyncadd.s32 $0xFFFFF000;
	(pc) =	sbr.rel @!p0 .LBB2_2-.Ltmp0, $4  }
0x65: {  	[hbm4b:s31+s2] =	stream.linear.scatter [tilespmem:s14], [sflag:$0x2], $0x8000, $0x38;
	[tilespmem:$0x10800] =	vst v63  }
0x66: {  	s31 =	simm.s32 $0x2  }
0x67: {  	_ =	swait.ge [sflag:s31], $0x8000  }
0x68: {  	s12 =	simm.s32 $0x7800;
	s1 =	sadd.s32 $0xFFFFFFFF, s0;
	[sflag:s31] =	ssyncset.done $0x0  }
.LBB2_1:
0x69: {  	[sflag:s31] =	ssyncadd.s32 $0xFFFF8000  }
0x6a: {  	_ =	swait.ge [sflag:s31], $0x8000  }
0x6b: {  	[sflag:s31] =	ssyncset.done $0x0  }
0x6c: {  	s0 =	rddreg [dreg:$0x3];
	[sflag:s31] =	ssyncadd.s32 $0xFFFF8000  }
0x6d: {  	[tilespmem:s2], [sflag:$0x3] =	stream.linear.gather [hbm4b:s0+s2], $0x800, $0x38;
	[tilespmem:$0x10800] =	vst v63  }
0x6e: {  	_ =	swait.ge [sflag:s4], $0x800  }
0x6f: {  	s0 =	rddreg [dreg:$0xb]  }
0x70: {  	s8 =	rddreg [dreg:$0x6];
	[sflag:s4] =	ssyncset.done $0x0  }
0x71: {  	s9 =	rddreg [dreg:$0x5];
	[sflag:s4] =	ssyncadd.s32 $0xFFFFF800  }
0x72: {  	[tilespmem:s7], [sflag:$0x1] =	stream.indirect.gather [hbm4b:s5+s6], $0x20, s2, s6, $0xb8;
	[tilespmem:$0x10800] =	vst v63  }
0x73: {  	s10 =	rddreg [dreg:$0x7]  }
0x74: {  	[tilespmem:s9], [sflag:$0x1] =	stream.indirect.gather [hbm4b:s5+s6], $0x20, s6, s6, $0xb8;
	[tilespmem:$0x10800] =	vst v63  }
0x75: {  	s11 =	rddreg [dreg:$0x9]  }
0x76: {  	[tilespmem:s10], [sflag:$0x1] =	stream.indirect.gather [hbm4b:s5+s6], $0x20, s8, s6, $0xb8;
	[tilespmem:$0x10800] =	vst v63  }
0x77: {  	s9 =	rddreg [dreg:$0x8]  }
0x78: {  	[tilespmem:s11], [sflag:$0x1] =	stream.indirect.gather [hbm4b:s5+s6], $0x20, s9, s6, $0xb8;
	[tilespmem:$0x10800] =	vst v63  }
0x79: {  	s8 =	rddreg [dreg:$0xa]  }
0x7a: {  	[tilespmem:s0], [sflag:$0x1] =	stream.indirect.gather [hbm4b:s5+s6], $0x20, s8, s6, $0xb8;
	[tilespmem:$0x10800] =	vst v63  }
0x7b: {  	s10 =	rddreg [dreg:$0xc];
	s11 =	simm.s32 $0x5800  }
0x7c: {  	[tilespmem:s11], [sflag:$0x1] =	stream.indirect.gather [hbm4b:s5+s6], $0x20, s10, s6, $0xb8;
	[tilespmem:$0x10800] =	vst v63  }
0x7d: {  	s9 =	simm.s32 $0x6800;
	s8 =	simm.s32 $0x300  }
0x7e: {  	[tilespmem:s9], [sflag:$0x1] =	stream.indirect.gather [hbm4b:s5+s6], $0x20, s8, s6, $0xb8;
	[tilespmem:$0x10800] =	vst v63  }
0x7f: {  	s10 =	simm.s32 $0x380  }
0x80: {  	[tilespmem:s12], [sflag:$0x1] =	stream.indirect.gather [hbm4b:s5+s6], $0x20, s10, s6, $0xb8;
	[tilespmem:$0x10800] =	vst v63  }
0x81: {  	_ = 	snop  }
0x82: {  	[tilespmem:s14], [sflag:$0x1] =	stream.indirect.gather [hbm4b:s5+s6], $0x20, s13, s6, $0xb8;
	[tilespmem:$0x10800] =	vst v63  }
0x83: {  	_ = 	snop  }
0x84: {  	[tilespmem:s16], [sflag:$0x1] =	stream.indirect.gather [hbm4b:s5+s6], $0x20, s15, s6, $0xb8;
	[tilespmem:$0x10800] =	vst v63  }
0x85: {  	_ = 	snop  }
0x86: {  	[tilespmem:s18], [sflag:$0x1] =	stream.indirect.gather [hbm4b:s5+s6], $0x20, s17, s6, $0xb8;
	[tilespmem:$0x10800] =	vst v63  }
0x87: {  	_ = 	snop  }
0x88: {  	[tilespmem:s20], [sflag:$0x1] =	stream.indirect.gather [hbm4b:s5+s6], $0x20, s19, s6, $0xb8;
	[tilespmem:$0x10800] =	vst v63  }
0x89: {  	_ = 	snop  }
0x8a: {  	[tilespmem:s22], [sflag:$0x1] =	stream.indirect.gather [hbm4b:s5+s6], $0x20, s21, s6, $0xb8;
	[tilespmem:$0x10800] =	vst v63  }
0x8b: {  	_ = 	snop  }
0x8c: {  	[tilespmem:s24], [sflag:$0x1] =	stream.indirect.gather [hbm4b:s5+s6], $0x20, s23, s6, $0xb8;
	[tilespmem:$0x10800] =	vst v63  }
0x8d: {  	_ = 	snop  }
0x8e: {  	[tilespmem:s26], [sflag:$0x1] =	stream.indirect.gather [hbm4b:s5+s6], $0x20, s25, s6, $0xb8;
	[tilespmem:$0x10800] =	vst v63  }
0x8f: {  	_ = 	snop  }
0x90: {  	[tilespmem:s29], [sflag:$0x1] =	stream.indirect.gather [hbm4b:s5+s6], $0x20, s28, s6, $0xb8;
	[tilespmem:$0x10800] =	vst v63  }
0x91: {  	_ =	swait.ge [sflag:s30], $0x1000  }
0x92: {  	[sflag:s30] =	ssyncset.done $0x0  }
0x93: {  	[sflag:s30] =	ssyncadd.s32 $0xFFFFF000  }
0x94: {  	_ =	swait.ge [sflag:s30], $0x1000  }
0x95: {  	[sflag:s30] =	ssyncset.done $0x0  }
0x96: {  	[sflag:s30] =	ssyncadd.s32 $0xFFFFF000  }
0x97: {  	_ =	swait.ge [sflag:s30], $0x1000  }
0x98: {  	[sflag:s30] =	ssyncset.done $0x0  }
0x99: {  	[sflag:s30] =	ssyncadd.s32 $0xFFFFF000  }
0x9a: {  	_ =	swait.ge [sflag:s30], $0x1000  }
0x9b: {  	[sflag:s30] =	ssyncset.done $0x0  }
0x9c: {  	[sflag:s30] =	ssyncadd.s32 $0xFFFFF000  }
0x9d: {  	_ =	swait.ge [sflag:s30], $0x1000  }
0x9e: {  	[sflag:s30] =	ssyncset.done $0x0  }
0x9f: {  	[sflag:s30] =	ssyncadd.s32 $0xFFFFF000  }
0xa0: {  	_ =	swait.ge [sflag:s30], $0x1000  }
0xa1: {  	[sflag:s30] =	ssyncset.done $0x0  }
0xa2: {  	[sflag:s30] =	ssyncadd.s32 $0xFFFFF000  }
0xa3: {  	_ =	swait.ge [sflag:s30], $0x1000  }
0xa4: {  	[sflag:s30] =	ssyncset.done $0x0  }
0xa5: {  	[sflag:s30] =	ssyncadd.s32 $0xFFFFF000  }
0xa6: {  	_ =	swait.ge [sflag:s30], $0x1000  }
0xa7: {  	[sflag:s30] =	ssyncset.done $0x0  }
0xa8: {  	[sflag:s30] =	ssyncadd.s32 $0xFFFFF000  }
0xa9: {  	[hbm4b:s3+s2] =	stream.linear.scatter [tilespmem:s7], [sflag:$0x2], $0x8000, $0x38;
	[tilespmem:$0x10800] =	vst v63  }
0xaa: {  	_ =	swait.ge [sflag:s30], $0x1000  }
0xab: {  	[sflag:s30] =	ssyncset.done $0x0  }
0xac: {  	[sflag:s30] =	ssyncadd.s32 $0xFFFFF000  }
0xad: {  	_ =	swait.ge [sflag:s30], $0x1000  }
0xae: {  	[sflag:s30] =	ssyncset.done $0x0  }
0xaf: {  	[sflag:s30] =	ssyncadd.s32 $0xFFFFF000  }
0xb0: {  	_ =	swait.ge [sflag:s30], $0x1000  }
0xb1: {  	[sflag:s30] =	ssyncset.done $0x0  }
0xb2: {  	[sflag:s30] =	ssyncadd.s32 $0xFFFFF000  }
0xb3: {  	_ =	swait.ge [sflag:s30], $0x1000  }
0xb4: {  	[sflag:s30] =	ssyncset.done $0x0  }
0xb5: {  	[sflag:s30] =	ssyncadd.s32 $0xFFFFF000  }
0xb6: {  	_ =	swait.ge [sflag:s30], $0x1000  }
0xb7: {  	[sflag:s30] =	ssyncset.done $0x0  }
0xb8: {  	[sflag:s30] =	ssyncadd.s32 $0xFFFFF000  }
0xb9: {  	_ =	swait.ge [sflag:s30], $0x1000  }
0xba: {  	[sflag:s30] =	ssyncset.done $0x0  }
0xbb: {  	[sflag:s30] =	ssyncadd.s32 $0xFFFFF000  }
0xbc: {  	_ =	swait.ge [sflag:s30], $0x1000  }
0xbd: {  	[sflag:s30] =	ssyncset.done $0x0  }
0xbe: {  	[sflag:s30] =	ssyncadd.s32 $0xFFFFF000  }
0xbf: {  	p0 =	sne.s32 s1, $0x1;
	_ =	swait.ge [sflag:s30], $0x1000  }
.Ltmp1:
0xc0: {  	[sflag:s30] =	ssyncset.done $0x0;
	(pc) =	sbr.rel @p0 .LBB2_1-.Ltmp1, $4  }
0xc1: {  	s11 =	rddreg [dreg:$0x4];
	[sflag:s30] =	ssyncadd.s32 $0xFFFFF000  }
0xc2: {  	[hbm4b:s11+s2] =	stream.linear.scatter [tilespmem:s14], [sflag:$0x2], $0x8000, $0x38;
	[tilespmem:$0x10800] =	vst v63  }
0xc3: {  	_ =	swait.ge [sflag:s31], $0x8000  }
0xc4: {  	s1 =	sadd.s32 $0xFFFFFFFF, s1;
	[sflag:s31] =	ssyncset.done $0x0  }
.LBB2_2:
0xc5: {  	[sflag:s31] =	ssyncadd.s32 $0xFFFF8000  }
0xc6: {  	_ =	swait.ge [sflag:s31], $0x8000  }
0xc7: {  	[sflag:s31] =	ssyncset.done $0x0  }
0xc8: {  	[sflag:s31] =	ssyncadd.s32 $0xFFFF8000  }
0xc9: {  	_ =	sfence.sel $0x180000  }
0xca: {  	[bflag:$0x0] =	sbarrier.arrive $0xFFFF  }
0xcb: {  	_ =	strace $0x90000047  }
0xcc: {  	s0 =	stileid.u32;
	[bflag:$0x2] =	sbarrier.arrive $0xFFFF  }
0xcd: {  	p0 =	sne.s32 s0, $0x0;
	s0 =	rddreg [dreg:$0x2]  }
0xce: {  	s0 =	sadd.s32 @!p0 $0x100000, s0  }
0xcf: {  	[sflag:s0] =	ssyncadd.tile.s32 @!p0 $0x1;
	_ =	shalt  }
.Lfunc_end2:
_tile_overlayer_lowered:
.L_overlay_start_2:
0xd0: {  	(tag) =	ssettag $0x2  }
0xd1: {  	s0 =	rddreg [dreg:$0x0];
	s2 =	stileid.u32  }
0xd2: {  	s1 =	rddreg [dreg:$0x1];
	p0 =	sne.s32 s2, $0x0  }
0xd3: {  	s3 =	rddreg [dreg:$0x2];
	[bflag:$0x3] =	sbarrier.arrive $0xFFFF;
	s2 =	simm.s32 @!p0 $0x1C03  }
0xd4: {  	[timem:s3], [sflag:s2] =	dma.local @!p0 [hbm:s0], s1  }
0xd5: {  	s0 =	simm.s32 @!p0 $0x3  }
0xd6: {  	_ =	swait.ge @!p0 [sflag:s0], s1  }
0xd7: {  	s1 =	ssub.s32 @!p0 $0x0, s1;
	[sflag:s0] =	ssyncset.done @!p0 $0x0  }
0xd8: {  	[sflag:s0] =	ssyncadd.s32 @!p0 s1  }
0xd9: {  	[bflag:$0x3] =	sbarrier.arrive $0xFFFF  }
0xda: {  	_ =	shalt  }

</sc_bundles>
